<compile_context>
chip_gen: v7x
topology: tpu7x:2x2x1
jax: 0.10.2.dev20260603
libtpu: 0.0.44.dev20260713+nightly
codegen_flags: <defaults>
</compile_context>

<pallas_src>
import functools

import jax
import jax.numpy as jnp
from jax import lax
from jax.experimental import pallas as pl
from jax.experimental.pallas import tpu as pltpu
from jax.experimental.pallas import tpu_sc as plsc

_N_FIELDS = 26
_VOCAB = 100000
_D = 16
_BATCH = 16384
_NW = 32
_NTASK = _N_FIELDS * _D
_TPW = _NTASK // _NW
_QTR = _BATCH // 4

_mesh = plsc.VectorSubcoreMesh(
    core_axis_name="c", subcore_axis_name="s", num_cores=2, num_subcores=16
)


@functools.partial(
    pl.kernel,
    out_type=jax.ShapeDtypeStruct((_N_FIELDS, _D, _BATCH), jnp.float32),
    mesh=_mesh,
    scratch_types=[
        pltpu.VMEM((_VOCAB,), jnp.float32),
        pltpu.VMEM((_BATCH,), jnp.int32),
        pltpu.VMEM((2, _QTR), jnp.float32),
        pltpu.SemaphoreType.DMA,
        pltpu.SemaphoreType.DMA,
        pltpu.SemaphoreType.DMA,
    ],
    compiler_params=pltpu.CompilerParams(
        use_tc_tiling_on_sc=True, needs_layout_passes=False
    ),
)
def _embed_gather(xt_hbm, tbl_hbm, out_hbm, row_v, idx_v, out_v, rsem, os0, os1):
    wid = lax.axis_index("s") * 2 + lax.axis_index("c")
    t0 = wid * _TPW
    osem = (os0, os1)

    def gather_chunk(q, f, d):
        b = q % 2

        @plsc.parallel_loop(0, _QTR // 16, unroll=8)
        def _(i):
            iv = idx_v[pl.ds(q * _QTR + i * 16, 16)]
            out_v[b, pl.ds(i * 16, 16)] = plsc.load_gather(row_v, [iv])

        pltpu.async_copy(
            out_v.at[b], out_hbm.at[f, d, pl.ds(q * _QTR, _QTR)], osem[b]
        )

    def out_drain(f, d, b):
        pltpu.make_async_copy(
            out_v.at[b], out_hbm.at[f, d, pl.ds(0, _QTR)], osem[b]
        ).wait()

    f = t0 // _D
    d = t0 % _D
    row_dma = pltpu.async_copy(tbl_hbm.at[f, d], row_v, rsem)
    pltpu.sync_copy(xt_hbm.at[f], idx_v)
    row_dma.wait()
    for q in range(4):
        if q >= 2:
            out_drain(f, d, q % 2)
        gather_chunk(q, f, d)

    def task_body(t, f_prev):
        f = t // _D
        d = t % _D
        row_dma = pltpu.async_copy(tbl_hbm.at[f, d], row_v, rsem)

        @pl.when(f != f_prev)
        def _():
            pltpu.sync_copy(xt_hbm.at[f], idx_v)

        row_dma.wait()
        for q in range(4):
            out_drain(f, d, q % 2)
            gather_chunk(q, f, d)
        return f

    f_last = lax.fori_loop(t0 + 1, t0 + _TPW, task_body, f)
    d_last = (t0 + _TPW - 1) % _D
    out_drain(f_last, d_last, 0)
    out_drain(f_last, d_last, 1)


def kernel(x, tables):
    xt = x.astype(jnp.int32).T
    tbl = tables.transpose(0, 2, 1)
    out = _embed_gather(xt, tbl)
    return out.transpose(2, 0, 1)

# --- scband reference (transcript-rebuilt; emitter-appended) ---
"""Pipeline reference for scband-discrete-embedding-2783138807917 (READ-ONLY COPY).

The authoritative reference and input builder live on the scoring server;
editing this copy changes nothing except your own understanding.
"""

import jax, jax.numpy as jnp
import numpy as np

N_FIELDS = 26
VOCAB = 100000
D_MODEL = 16
BATCH = 16384

def setup_inputs(seed: int = 0) -> dict:
    key = jax.random.key(seed)
    k_x, k_t = jax.random.split(key)
    x = jax.random.randint(k_x, (BATCH, N_FIELDS), 0, VOCAB, dtype=jnp.int64 if jax.config.jax_enable_x64 else jnp.int32)
    # nn.Embedding default init: N(0, 1). One table per field, all same vocab -> stack.
    tables = jax.random.normal(k_t, (N_FIELDS, VOCAB, D_MODEL), dtype=jnp.float32)
    return {"x": x, "tables": tables}

def reference(x, tables):
    # Faithful translation: per-field embedding lookup, then stack along dim=1.
    outs = []
    for i in range(N_FIELDS):
        out_i = jnp.take(tables[i], x[:, i], axis=0)  # (BATCH, D_MODEL)
        outs.append(out_i)
    return jnp.stack(outs, axis=1)  # (BATCH, N_FIELDS, D_MODEL)

if __name__ == "__main__":
    import jax
    _d = setup_inputs()
    print(jax.jit(kernel)(*tuple(_d.values())))

</pallas_src>

<mosaic_0001>
#map = affine_map<(d0, d1) -> (0, 0)>
#map1 = affine_map<(d0, d1) -> (0, 0, 0)>
module attributes {stable_mosaic.version = 14 : i64} {
  func.func @_embed_gather(%arg0: i32, %arg1: i32, %arg2: memref<26x16384xi32, #tpu.memory_space<hbm>>, %arg3: memref<26x16x100000xf32, #tpu.memory_space<hbm>>, %arg4: memref<26x16x16384xf32, #tpu.memory_space<hbm>>, %arg5: memref<100000xf32, #tpu.memory_space<vmem>>, %arg6: memref<16384xi32, #tpu.memory_space<vmem>>, %arg7: memref<2x4096xf32, #tpu.memory_space<vmem>>, %arg8: memref<!tpu.dma_semaphore, #tpu.memory_space<semaphore_mem>>, %arg9: memref<!tpu.dma_semaphore, #tpu.memory_space<semaphore_mem>>, %arg10: memref<!tpu.dma_semaphore, #tpu.memory_space<semaphore_mem>>) attributes {dimension_semantics = [#tpu.dimension_semantics<core_parallel>, #tpu.dimension_semantics<subcore_parallel>], iteration_bounds = array<i64: 2, 16>, scalar_prefetch = 0 : i64, scratch_operands = 6 : i64, tpu.core_type = #tpu.core_type<sc_vector_subcore>, window_params = [{transform_indices = #map}, {transform_indices = #map1}, {transform_indices = #map1}]} {
    %mul3A = arith.constant 2 : i32
    %mul3A_0 = arith.muli %arg1, %mul3A : i32
    %add3A = arith.addi %mul3A_0, %arg0 : i32
    %mul3A_1 = arith.constant 13 : i32
    %mul3A_2 = arith.muli %add3A, %mul3A_1 : i32
    %jit3A = arith.constant 16 : i32
    %div3A = arith.divsi %mul3A_2, %jit3A : i32
    %sign3A = arith.constant 0 : i32
    %sign3A_3 = arith.cmpi sgt, %mul3A_2, %sign3A : i32
    %sign3A_4 = arith.extui %sign3A_3 : i1 to i32
    %sign3A_5 = arith.constant 0 : i32
    %sign3A_6 = arith.cmpi slt, %mul3A_2, %sign3A_5 : i32
    %sign3A_7 = arith.extui %sign3A_6 : i1 to i32
    %sign3A_8 = arith.subi %sign3A_4, %sign3A_7 : i32
    %sign3A_9 = arith.constant 0 : i32
    %sign3A_10 = arith.cmpi sgt, %jit3A, %sign3A_9 : i32
    %sign3A_11 = arith.extui %sign3A_10 : i1 to i32
    %sign3A_12 = arith.constant 0 : i32
    %sign3A_13 = arith.cmpi slt, %jit3A, %sign3A_12 : i32
    %sign3A_14 = arith.extui %sign3A_13 : i1 to i32
    %sign3A_15 = arith.subi %sign3A_11, %sign3A_14 : i32
    %ne3A = arith.cmpi ne, %sign3A_8, %sign3A_15 : i32
    %rem3A = arith.remsi %mul3A_2, %jit3A : i32
    %ne3A_16 = arith.constant 0 : i32
    %ne3A_17 = arith.cmpi ne, %rem3A, %ne3A_16 : i32
    %and3A = arith.andi %ne3A, %ne3A_17 : i1
    %sub3A = arith.constant 1 : i32
    %sub3A_18 = arith.subi %div3A, %sub3A : i32
    %select_n3A = arith.select %and3A, %sub3A_18, %div3A : i32
    %jit3A_19 = arith.constant 16 : i32
    %eq3A = arith.constant 0 : i32
    %eq3A_20 = arith.cmpi eq, %jit3A_19, %eq3A : i32
    %jit3A_21 = arith.constant 1 : i32
    %select_n3A_22 = arith.select %eq3A_20, %jit3A_21, %jit3A_19 : i32
    %rem3A_23 = arith.remsi %mul3A_2, %select_n3A_22 : i32
    %ne3A_24 = arith.constant 0 : i32
    %ne3A_25 = arith.cmpi ne, %rem3A_23, %ne3A_24 : i32
    %lt3A = arith.constant 0 : i32
    %lt3A_26 = arith.cmpi slt, %rem3A_23, %lt3A : i32
    %lt3A_27 = arith.constant 0 : i32
    %lt3A_28 = arith.cmpi slt, %select_n3A_22, %lt3A_27 : i32
    %ne3A_29 = arith.xori %lt3A_26, %lt3A_28 : i1
    %and3A_30 = arith.andi %ne3A_29, %ne3A_25 : i1
    %add3A_31 = arith.addi %rem3A_23, %select_n3A_22 : i32
    %select_n3A_32 = arith.select %and3A_30, %add3A_31, %rem3A_23 : i32
    %dma_start3A = arith.constant 0 : i32
    %dma_start3A_33 = tpu.memref_slice %arg3[%select_n3A, %select_n3A_32, %dma_start3A] : memref<26x16x100000xf32, #tpu.memory_space<hbm>> -> memref<1x1x100000xf32, #tpu.memory_space<hbm>>
    %dma_start3A_34 = tpu.memref_squeeze %dma_start3A_33 : memref<1x1x100000xf32, #tpu.memory_space<hbm>> -> memref<100000xf32, #tpu.memory_space<hbm>>
    %dma_start3A_35 = arith.constant 0 : i32
    %dma_start3A_36 = tpu.memref_slice %arg3[%select_n3A, %select_n3A_32, %dma_start3A_35] : memref<26x16x100000xf32, #tpu.memory_space<hbm>> -> memref<1x1x100000xf32, #tpu.memory_space<hbm>>
    %dma_start3A_37 = tpu.memref_squeeze %dma_start3A_36 : memref<1x1x100000xf32, #tpu.memory_space<hbm>> -> memref<100000xf32, #tpu.memory_space<hbm>>
    tpu.enqueue_dma source(%dma_start3A_37 : memref<100000xf32, #tpu.memory_space<hbm>>) target(%arg5 : memref<100000xf32, #tpu.memory_space<vmem>>) target_semaphore(%arg8 : memref<!tpu.dma_semaphore, #tpu.memory_space<semaphore_mem>>)
    "tpu.region"() ({
      %run_scoped3A = tpu.sem_alloc : memref<!tpu.dma_semaphore, #tpu.memory_space<semaphore_mem>>
      %dma_start3A_191 = arith.constant 0 : i32
      %dma_start3A_192 = tpu.memref_slice %arg2[%select_n3A, %dma_start3A_191] : memref<26x16384xi32, #tpu.memory_space<hbm>> -> memref<1x16384xi32, #tpu.memory_space<hbm>>
      %dma_start3A_193 = tpu.memref_squeeze %dma_start3A_192 : memref<1x16384xi32, #tpu.memory_space<hbm>> -> memref<16384xi32, #tpu.memory_space<hbm>>
      %dma_start3A_194 = arith.constant 0 : i32
      %dma_start3A_195 = tpu.memref_slice %arg2[%select_n3A, %dma_start3A_194] : memref<26x16384xi32, #tpu.memory_space<hbm>> -> memref<1x16384xi32, #tpu.memory_space<hbm>>
      %dma_start3A_196 = tpu.memref_squeeze %dma_start3A_195 : memref<1x16384xi32, #tpu.memory_space<hbm>> -> memref<16384xi32, #tpu.memory_space<hbm>>
      tpu.enqueue_dma source(%dma_start3A_196 : memref<16384xi32, #tpu.memory_space<hbm>>) target(%arg6 : memref<16384xi32, #tpu.memory_space<vmem>>) target_semaphore(%run_scoped3A : memref<!tpu.dma_semaphore, #tpu.memory_space<semaphore_mem>>)
      %dma_wait3A_197 = arith.constant 0 : i32
      %dma_wait3A_198 = tpu.memref_slice %arg2[%select_n3A, %dma_wait3A_197] : memref<26x16384xi32, #tpu.memory_space<hbm>> -> memref<1x16384xi32, #tpu.memory_space<hbm>>
      %dma_wait3A_199 = tpu.memref_squeeze %dma_wait3A_198 : memref<1x16384xi32, #tpu.memory_space<hbm>> -> memref<16384xi32, #tpu.memory_space<hbm>>
      %dma_wait3A_200 = arith.constant 0 : i32
      %dma_wait3A_201 = tpu.memref_slice %arg2[%select_n3A, %dma_wait3A_200] : memref<26x16384xi32, #tpu.memory_space<hbm>> -> memref<1x16384xi32, #tpu.memory_space<hbm>>
      %dma_wait3A_202 = tpu.memref_squeeze %dma_wait3A_201 : memref<1x16384xi32, #tpu.memory_space<hbm>> -> memref<16384xi32, #tpu.memory_space<hbm>>
      tpu.wait_dma2 semaphore(%run_scoped3A : memref<!tpu.dma_semaphore, #tpu.memory_space<semaphore_mem>>) src(%dma_wait3A_202 : memref<16384xi32, #tpu.memory_space<hbm>>) dst(%arg6 : memref<16384xi32, #tpu.memory_space<vmem>>)
      tpu.yield
    }) : () -> ()
    %dma_wait3A = arith.constant 0 : i32
    %dma_wait3A_38 = tpu.memref_slice %arg3[%select_n3A, %select_n3A_32, %dma_wait3A] : memref<26x16x100000xf32, #tpu.memory_space<hbm>> -> memref<1x1x100000xf32, #tpu.memory_space<hbm>>
    %dma_wait3A_39 = tpu.memref_squeeze %dma_wait3A_38 : memref<1x1x100000xf32, #tpu.memory_space<hbm>> -> memref<100000xf32, #tpu.memory_space<hbm>>
    %dma_wait3A_40 = arith.constant 0 : i32
    %dma_wait3A_41 = tpu.memref_slice %arg3[%select_n3A, %select_n3A_32, %dma_wait3A_40] : memref<26x16x100000xf32, #tpu.memory_space<hbm>> -> memref<1x1x100000xf32, #tpu.memory_space<hbm>>
    %dma_wait3A_42 = tpu.memref_squeeze %dma_wait3A_41 : memref<1x1x100000xf32, #tpu.memory_space<hbm>> -> memref<100000xf32, #tpu.memory_space<hbm>>
    tpu.wait_dma2 semaphore(%arg8 : memref<!tpu.dma_semaphore, #tpu.memory_space<semaphore_mem>>) src(%dma_wait3A_42 : memref<100000xf32, #tpu.memory_space<hbm>>) dst(%arg5 : memref<100000xf32, #tpu.memory_space<vmem>>)
    %parallel_loop3A = arith.constant 0 : i32
    %parallel_loop3A_43 = arith.constant 256 : i32
    %parallel_loop3A_44 = arith.constant 1 : i32
    scf.for %parallel_loop3A_191 = %parallel_loop3A to %parallel_loop3A_43 step %parallel_loop3A_44  : i32 {
      %parallel_loop3A_192 = arith.constant 16 : i32
      %parallel_loop3A_193 = arith.muli %parallel_loop3A_191, %parallel_loop3A_192 : i32
      %parallel_loop3A_194 = arith.constant 0 : i32
      %parallel_loop3A_195 = arith.addi %parallel_loop3A_194, %parallel_loop3A_193 : i32
      %parallel_loop3A_196 = arith.index_cast %parallel_loop3A_195 : i32 to index
      %parallel_loop3A_197 = tpu.vector_load %arg6[%parallel_loop3A_196] {strides = array<i32>} : memref<16384xi32, #tpu.memory_space<vmem>>, vector<16xi32>,
      %parallel_loop3A_198 = tpu.vector_load_idx %arg5[%parallel_loop3A_197] : memref<100000xf32, #tpu.memory_space<vmem>>[vector<16xi32>], vector<16xf32>,
      %parallel_loop3A_199 = arith.constant 16 : i32
      %parallel_loop3A_200 = arith.muli %parallel_loop3A_191, %parallel_loop3A_199 : i32
      %parallel_loop3A_201 = arith.constant 0 : i32
      %parallel_loop3A_202 = arith.index_cast %parallel_loop3A_201 : i32 to index
      %parallel_loop3A_203 = arith.index_cast %parallel_loop3A_200 : i32 to index
      %parallel_loop3A_204 = tpu.vector_load %arg7[%parallel_loop3A_202, %parallel_loop3A_203] {strides = array<i32>} : memref<2x4096xf32, #tpu.memory_space<vmem>>, vector<16xf32>,
      tpu.vector_store %arg7[%parallel_loop3A_202, %parallel_loop3A_203], %parallel_loop3A_198 {strides = array<i32>} : memref<2x4096xf32, #tpu.memory_space<vmem>>, vector<16xf32>,
    } {sc.loop_unroll_factor = 8 : i64, sc.parallel_access}
    %dma_start3A_45 = arith.constant 0 : i32
    %dma_start3A_46 = arith.constant 0 : i32
    %dma_start3A_47 = tpu.memref_slice %arg7[%dma_start3A_45, %dma_start3A_46] : memref<2x4096xf32, #tpu.memory_space<vmem>> -> memref<1x4096xf32, #tpu.memory_space<vmem>>
    %dma_start3A_48 = tpu.memref_squeeze %dma_start3A_47 : memref<1x4096xf32, #tpu.memory_space<vmem>> -> memref<4096xf32, #tpu.memory_space<vmem>>
    %dma_start3A_49 = arith.constant 0 : i32
    %dma_start3A_50 = tpu.memref_slice %arg4[%select_n3A, %select_n3A_32, %dma_start3A_49] : memref<26x16x16384xf32, #tpu.memory_space<hbm>> -> memref<1x1x4096xf32, #tpu.memory_space<hbm>>
    %dma_start3A_51 = tpu.memref_squeeze %dma_start3A_50 : memref<1x1x4096xf32, #tpu.memory_space<hbm>> -> memref<4096xf32, #tpu.memory_space<hbm>>
    %dma_start3A_52 = arith.constant 0 : i32
    %dma_start3A_53 = tpu.memref_slice %arg4[%select_n3A, %select_n3A_32, %dma_start3A_52] : memref<26x16x16384xf32, #tpu.memory_space<hbm>> -> memref<1x1x4096xf32, #tpu.memory_space<hbm>>
    %dma_start3A_54 = tpu.memref_squeeze %dma_start3A_53 : memref<1x1x4096xf32, #tpu.memory_space<hbm>> -> memref<4096xf32, #tpu.memory_space<hbm>>
    %dma_start3A_55 = arith.constant 0 : i32
    %dma_start3A_56 = tpu.memref_slice %arg7[%dma_start3A_45, %dma_start3A_55] : memref<2x4096xf32, #tpu.memory_space<vmem>> -> memref<1x4096xf32, #tpu.memory_space<vmem>>
    %dma_start3A_57 = tpu.memref_squeeze %dma_start3A_56 : memref<1x4096xf32, #tpu.memory_space<vmem>> -> memref<4096xf32, #tpu.memory_space<vmem>>
    tpu.enqueue_dma source(%dma_start3A_57 : memref<4096xf32, #tpu.memory_space<vmem>>) target(%dma_start3A_54 : memref<4096xf32, #tpu.memory_space<hbm>>) target_semaphore(%arg9 : memref<!tpu.dma_semaphore, #tpu.memory_space<semaphore_mem>>)
    %parallel_loop3A_58 = arith.constant 0 : i32
    %parallel_loop3A_59 = arith.constant 256 : i32
    %parallel_loop3A_60 = arith.constant 1 : i32
    scf.for %parallel_loop3A_191 = %parallel_loop3A_58 to %parallel_loop3A_59 step %parallel_loop3A_60  : i32 {
      %parallel_loop3A_192 = arith.constant 16 : i32
      %parallel_loop3A_193 = arith.muli %parallel_loop3A_191, %parallel_loop3A_192 : i32
      %parallel_loop3A_194 = arith.constant 4096 : i32
      %parallel_loop3A_195 = arith.addi %parallel_loop3A_194, %parallel_loop3A_193 : i32
      %parallel_loop3A_196 = arith.index_cast %parallel_loop3A_195 : i32 to index
      %parallel_loop3A_197 = tpu.vector_load %arg6[%parallel_loop3A_196] {strides = array<i32>} : memref<16384xi32, #tpu.memory_space<vmem>>, vector<16xi32>,
      %parallel_loop3A_198 = tpu.vector_load_idx %arg5[%parallel_loop3A_197] : memref<100000xf32, #tpu.memory_space<vmem>>[vector<16xi32>], vector<16xf32>,
      %parallel_loop3A_199 = arith.constant 16 : i32
      %parallel_loop3A_200 = arith.muli %parallel_loop3A_191, %parallel_loop3A_199 : i32
      %parallel_loop3A_201 = arith.constant 1 : i32
      %parallel_loop3A_202 = arith.index_cast %parallel_loop3A_201 : i32 to index
      %parallel_loop3A_203 = arith.index_cast %parallel_loop3A_200 : i32 to index
      %parallel_loop3A_204 = tpu.vector_load %arg7[%parallel_loop3A_202, %parallel_loop3A_203] {strides = array<i32>} : memref<2x4096xf32, #tpu.memory_space<vmem>>, vector<16xf32>,
      tpu.vector_store %arg7[%parallel_loop3A_202, %parallel_loop3A_203], %parallel_loop3A_198 {strides = array<i32>} : memref<2x4096xf32, #tpu.memory_space<vmem>>, vector<16xf32>,
    } {sc.loop_unroll_factor = 8 : i64, sc.parallel_access}
    %dma_start3A_61 = arith.constant 1 : i32
    %dma_start3A_62 = arith.constant 0 : i32
    %dma_start3A_63 = tpu.memref_slice %arg7[%dma_start3A_61, %dma_start3A_62] : memref<2x4096xf32, #tpu.memory_space<vmem>> -> memref<1x4096xf32, #tpu.memory_space<vmem>>
    %dma_start3A_64 = tpu.memref_squeeze %dma_start3A_63 : memref<1x4096xf32, #tpu.memory_space<vmem>> -> memref<4096xf32, #tpu.memory_space<vmem>>
    %dma_start3A_65 = arith.constant 4096 : i32
    %dma_start3A_66 = tpu.memref_slice %arg4[%select_n3A, %select_n3A_32, %dma_start3A_65] : memref<26x16x16384xf32, #tpu.memory_space<hbm>> -> memref<1x1x4096xf32, #tpu.memory_space<hbm>>
    %dma_start3A_67 = tpu.memref_squeeze %dma_start3A_66 : memref<1x1x4096xf32, #tpu.memory_space<hbm>> -> memref<4096xf32, #tpu.memory_space<hbm>>
    %dma_start3A_68 = arith.constant 4096 : i32
    %dma_start3A_69 = tpu.memref_slice %arg4[%select_n3A, %select_n3A_32, %dma_start3A_68] : memref<26x16x16384xf32, #tpu.memory_space<hbm>> -> memref<1x1x4096xf32, #tpu.memory_space<hbm>>
    %dma_start3A_70 = tpu.memref_squeeze %dma_start3A_69 : memref<1x1x4096xf32, #tpu.memory_space<hbm>> -> memref<4096xf32, #tpu.memory_space<hbm>>
    %dma_start3A_71 = arith.constant 0 : i32
    %dma_start3A_72 = tpu.memref_slice %arg7[%dma_start3A_61, %dma_start3A_71] : memref<2x4096xf32, #tpu.memory_space<vmem>> -> memref<1x4096xf32, #tpu.memory_space<vmem>>
    %dma_start3A_73 = tpu.memref_squeeze %dma_start3A_72 : memref<1x4096xf32, #tpu.memory_space<vmem>> -> memref<4096xf32, #tpu.memory_space<vmem>>
    tpu.enqueue_dma source(%dma_start3A_73 : memref<4096xf32, #tpu.memory_space<vmem>>) target(%dma_start3A_70 : memref<4096xf32, #tpu.memory_space<hbm>>) target_semaphore(%arg10 : memref<!tpu.dma_semaphore, #tpu.memory_space<semaphore_mem>>)
    %dma_wait3A_74 = arith.constant 0 : i32
    %dma_wait3A_75 = arith.constant 0 : i32
    %dma_wait3A_76 = tpu.memref_slice %arg7[%dma_wait3A_74, %dma_wait3A_75] : memref<2x4096xf32, #tpu.memory_space<vmem>> -> memref<1x4096xf32, #tpu.memory_space<vmem>>
    %dma_wait3A_77 = tpu.memref_squeeze %dma_wait3A_76 : memref<1x4096xf32, #tpu.memory_space<vmem>> -> memref<4096xf32, #tpu.memory_space<vmem>>
    %dma_wait3A_78 = arith.constant 0 : i32
    %dma_wait3A_79 = tpu.memref_slice %arg4[%select_n3A, %select_n3A_32, %dma_wait3A_78] : memref<26x16x16384xf32, #tpu.memory_space<hbm>> -> memref<1x1x4096xf32, #tpu.memory_space<hbm>>
    %dma_wait3A_80 = tpu.memref_squeeze %dma_wait3A_79 : memref<1x1x4096xf32, #tpu.memory_space<hbm>> -> memref<4096xf32, #tpu.memory_space<hbm>>
    %dma_wait3A_81 = arith.constant 0 : i32
    %dma_wait3A_82 = tpu.memref_slice %arg4[%select_n3A, %select_n3A_32, %dma_wait3A_81] : memref<26x16x16384xf32, #tpu.memory_space<hbm>> -> memref<1x1x4096xf32, #tpu.memory_space<hbm>>
    %dma_wait3A_83 = tpu.memref_squeeze %dma_wait3A_82 : memref<1x1x4096xf32, #tpu.memory_space<hbm>> -> memref<4096xf32, #tpu.memory_space<hbm>>
    %dma_wait3A_84 = arith.constant 0 : i32
    %dma_wait3A_85 = tpu.memref_slice %arg7[%dma_wait3A_74, %dma_wait3A_84] : memref<2x4096xf32, #tpu.memory_space<vmem>> -> memref<1x4096xf32, #tpu.memory_space<vmem>>
    %dma_wait3A_86 = tpu.memref_squeeze %dma_wait3A_85 : memref<1x4096xf32, #tpu.memory_space<vmem>> -> memref<4096xf32, #tpu.memory_space<vmem>>
    tpu.wait_dma2 semaphore(%arg9 : memref<!tpu.dma_semaphore, #tpu.memory_space<semaphore_mem>>) src(%dma_wait3A_86 : memref<4096xf32, #tpu.memory_space<vmem>>) dst(%dma_wait3A_83 : memref<4096xf32, #tpu.memory_space<hbm>>)
    %parallel_loop3A_87 = arith.constant 0 : i32
    %parallel_loop3A_88 = arith.constant 256 : i32
    %parallel_loop3A_89 = arith.constant 1 : i32
    scf.for %parallel_loop3A_191 = %parallel_loop3A_87 to %parallel_loop3A_88 step %parallel_loop3A_89  : i32 {
      %parallel_loop3A_192 = arith.constant 16 : i32
      %parallel_loop3A_193 = arith.muli %parallel_loop3A_191, %parallel_loop3A_192 : i32
      %parallel_loop3A_194 = arith.constant 8192 : i32
      %parallel_loop3A_195 = arith.addi %parallel_loop3A_194, %parallel_loop3A_193 : i32
      %parallel_loop3A_196 = arith.index_cast %parallel_loop3A_195 : i32 to index
      %parallel_loop3A_197 = tpu.vector_load %arg6[%parallel_loop3A_196] {strides = array<i32>} : memref<16384xi32, #tpu.memory_space<vmem>>, vector<16xi32>,
      %parallel_loop3A_198 = tpu.vector_load_idx %arg5[%parallel_loop3A_197] : memref<100000xf32, #tpu.memory_space<vmem>>[vector<16xi32>], vector<16xf32>,
      %parallel_loop3A_199 = arith.constant 16 : i32
      %parallel_loop3A_200 = arith.muli %parallel_loop3A_191, %parallel_loop3A_199 : i32
      %parallel_loop3A_201 = arith.constant 0 : i32
      %parallel_loop3A_202 = arith.index_cast %parallel_loop3A_201 : i32 to index
      %parallel_loop3A_203 = arith.index_cast %parallel_loop3A_200 : i32 to index
      %parallel_loop3A_204 = tpu.vector_load %arg7[%parallel_loop3A_202, %parallel_loop3A_203] {strides = array<i32>} : memref<2x4096xf32, #tpu.memory_space<vmem>>, vector<16xf32>,
      tpu.vector_store %arg7[%parallel_loop3A_202, %parallel_loop3A_203], %parallel_loop3A_198 {strides = array<i32>} : memref<2x4096xf32, #tpu.memory_space<vmem>>, vector<16xf32>,
    } {sc.loop_unroll_factor = 8 : i64, sc.parallel_access}
    %dma_start3A_90 = arith.constant 0 : i32
    %dma_start3A_91 = arith.constant 0 : i32
    %dma_start3A_92 = tpu.memref_slice %arg7[%dma_start3A_90, %dma_start3A_91] : memref<2x4096xf32, #tpu.memory_space<vmem>> -> memref<1x4096xf32, #tpu.memory_space<vmem>>
    %dma_start3A_93 = tpu.memref_squeeze %dma_start3A_92 : memref<1x4096xf32, #tpu.memory_space<vmem>> -> memref<4096xf32, #tpu.memory_space<vmem>>
    %dma_start3A_94 = arith.constant 8192 : i32
    %dma_start3A_95 = tpu.memref_slice %arg4[%select_n3A, %select_n3A_32, %dma_start3A_94] : memref<26x16x16384xf32, #tpu.memory_space<hbm>> -> memref<1x1x4096xf32, #tpu.memory_space<hbm>>
    %dma_start3A_96 = tpu.memref_squeeze %dma_start3A_95 : memref<1x1x4096xf32, #tpu.memory_space<hbm>> -> memref<4096xf32, #tpu.memory_space<hbm>>
    %dma_start3A_97 = arith.constant 8192 : i32
    %dma_start3A_98 = tpu.memref_slice %arg4[%select_n3A, %select_n3A_32, %dma_start3A_97] : memref<26x16x16384xf32, #tpu.memory_space<hbm>> -> memref<1x1x4096xf32, #tpu.memory_space<hbm>>
    %dma_start3A_99 = tpu.memref_squeeze %dma_start3A_98 : memref<1x1x4096xf32, #tpu.memory_space<hbm>> -> memref<4096xf32, #tpu.memory_space<hbm>>
    %dma_start3A_100 = arith.constant 0 : i32
    %dma_start3A_101 = tpu.memref_slice %arg7[%dma_start3A_90, %dma_start3A_100] : memref<2x4096xf32, #tpu.memory_space<vmem>> -> memref<1x4096xf32, #tpu.memory_space<vmem>>
    %dma_start3A_102 = tpu.memref_squeeze %dma_start3A_101 : memref<1x4096xf32, #tpu.memory_space<vmem>> -> memref<4096xf32, #tpu.memory_space<vmem>>
    tpu.enqueue_dma source(%dma_start3A_102 : memref<4096xf32, #tpu.memory_space<vmem>>) target(%dma_start3A_99 : memref<4096xf32, #tpu.memory_space<hbm>>) target_semaphore(%arg9 : memref<!tpu.dma_semaphore, #tpu.memory_space<semaphore_mem>>)
    %dma_wait3A_103 = arith.constant 1 : i32
    %dma_wait3A_104 = arith.constant 0 : i32
    %dma_wait3A_105 = tpu.memref_slice %arg7[%dma_wait3A_103, %dma_wait3A_104] : memref<2x4096xf32, #tpu.memory_space<vmem>> -> memref<1x4096xf32, #tpu.memory_space<vmem>>
    %dma_wait3A_106 = tpu.memref_squeeze %dma_wait3A_105 : memref<1x4096xf32, #tpu.memory_space<vmem>> -> memref<4096xf32, #tpu.memory_space<vmem>>
    %dma_wait3A_107 = arith.constant 0 : i32
    %dma_wait3A_108 = tpu.memref_slice %arg4[%select_n3A, %select_n3A_32, %dma_wait3A_107] : memref<26x16x16384xf32, #tpu.memory_space<hbm>> -> memref<1x1x4096xf32, #tpu.memory_space<hbm>>
    %dma_wait3A_109 = tpu.memref_squeeze %dma_wait3A_108 : memref<1x1x4096xf32, #tpu.memory_space<hbm>> -> memref<4096xf32, #tpu.memory_space<hbm>>
    %dma_wait3A_110 = arith.constant 0 : i32
    %dma_wait3A_111 = tpu.memref_slice %arg4[%select_n3A, %select_n3A_32, %dma_wait3A_110] : memref<26x16x16384xf32, #tpu.memory_space<hbm>> -> memref<1x1x4096xf32, #tpu.memory_space<hbm>>
    %dma_wait3A_112 = tpu.memref_squeeze %dma_wait3A_111 : memref<1x1x4096xf32, #tpu.memory_space<hbm>> -> memref<4096xf32, #tpu.memory_space<hbm>>
    %dma_wait3A_113 = arith.constant 0 : i32
    %dma_wait3A_114 = tpu.memref_slice %arg7[%dma_wait3A_103, %dma_wait3A_113] : memref<2x4096xf32, #tpu.memory_space<vmem>> -> memref<1x4096xf32, #tpu.memory_space<vmem>>
    %dma_wait3A_115 = tpu.memref_squeeze %dma_wait3A_114 : memref<1x4096xf32, #tpu.memory_space<vmem>> -> memref<4096xf32, #tpu.memory_space<vmem>>
    tpu.wait_dma2 semaphore(%arg10 : memref<!tpu.dma_semaphore, #tpu.memory_space<semaphore_mem>>) src(%dma_wait3A_115 : memref<4096xf32, #tpu.memory_space<vmem>>) dst(%dma_wait3A_112 : memref<4096xf32, #tpu.memory_space<hbm>>)
    %parallel_loop3A_116 = arith.constant 0 : i32
    %parallel_loop3A_117 = arith.constant 256 : i32
    %parallel_loop3A_118 = arith.constant 1 : i32
    scf.for %parallel_loop3A_191 = %parallel_loop3A_116 to %parallel_loop3A_117 step %parallel_loop3A_118  : i32 {
      %parallel_loop3A_192 = arith.constant 16 : i32
      %parallel_loop3A_193 = arith.muli %parallel_loop3A_191, %parallel_loop3A_192 : i32
      %parallel_loop3A_194 = arith.constant 12288 : i32
      %parallel_loop3A_195 = arith.addi %parallel_loop3A_194, %parallel_loop3A_193 : i32
      %parallel_loop3A_196 = arith.index_cast %parallel_loop3A_195 : i32 to index
      %parallel_loop3A_197 = tpu.vector_load %arg6[%parallel_loop3A_196] {strides = array<i32>} : memref<16384xi32, #tpu.memory_space<vmem>>, vector<16xi32>,
      %parallel_loop3A_198 = tpu.vector_load_idx %arg5[%parallel_loop3A_197] : memref<100000xf32, #tpu.memory_space<vmem>>[vector<16xi32>], vector<16xf32>,
      %parallel_loop3A_199 = arith.constant 16 : i32
      %parallel_loop3A_200 = arith.muli %parallel_loop3A_191, %parallel_loop3A_199 : i32
      %parallel_loop3A_201 = arith.constant 1 : i32
      %parallel_loop3A_202 = arith.index_cast %parallel_loop3A_201 : i32 to index
      %parallel_loop3A_203 = arith.index_cast %parallel_loop3A_200 : i32 to index
      %parallel_loop3A_204 = tpu.vector_load %arg7[%parallel_loop3A_202, %parallel_loop3A_203] {strides = array<i32>} : memref<2x4096xf32, #tpu.memory_space<vmem>>, vector<16xf32>,
      tpu.vector_store %arg7[%parallel_loop3A_202, %parallel_loop3A_203], %parallel_loop3A_198 {strides = array<i32>} : memref<2x4096xf32, #tpu.memory_space<vmem>>, vector<16xf32>,
    } {sc.loop_unroll_factor = 8 : i64, sc.parallel_access}
    %dma_start3A_119 = arith.constant 1 : i32
    %dma_start3A_120 = arith.constant 0 : i32
    %dma_start3A_121 = tpu.memref_slice %arg7[%dma_start3A_119, %dma_start3A_120] : memref<2x4096xf32, #tpu.memory_space<vmem>> -> memref<1x4096xf32, #tpu.memory_space<vmem>>
    %dma_start3A_122 = tpu.memref_squeeze %dma_start3A_121 : memref<1x4096xf32, #tpu.memory_space<vmem>> -> memref<4096xf32, #tpu.memory_space<vmem>>
    %dma_start3A_123 = arith.constant 12288 : i32
    %dma_start3A_124 = tpu.memref_slice %arg4[%select_n3A, %select_n3A_32, %dma_start3A_123] : memref<26x16x16384xf32, #tpu.memory_space<hbm>> -> memref<1x1x4096xf32, #tpu.memory_space<hbm>>
    %dma_start3A_125 = tpu.memref_squeeze %dma_start3A_124 : memref<1x1x4096xf32, #tpu.memory_space<hbm>> -> memref<4096xf32, #tpu.memory_space<hbm>>
    %dma_start3A_126 = arith.constant 12288 : i32
    %dma_start3A_127 = tpu.memref_slice %arg4[%select_n3A, %select_n3A_32, %dma_start3A_126] : memref<26x16x16384xf32, #tpu.memory_space<hbm>> -> memref<1x1x4096xf32, #tpu.memory_space<hbm>>
    %dma_start3A_128 = tpu.memref_squeeze %dma_start3A_127 : memref<1x1x4096xf32, #tpu.memory_space<hbm>> -> memref<4096xf32, #tpu.memory_space<hbm>>
    %dma_start3A_129 = arith.constant 0 : i32
    %dma_start3A_130 = tpu.memref_slice %arg7[%dma_start3A_119, %dma_start3A_129] : memref<2x4096xf32, #tpu.memory_space<vmem>> -> memref<1x4096xf32, #tpu.memory_space<vmem>>
    %dma_start3A_131 = tpu.memref_squeeze %dma_start3A_130 : memref<1x4096xf32, #tpu.memory_space<vmem>> -> memref<4096xf32, #tpu.memory_space<vmem>>
    tpu.enqueue_dma source(%dma_start3A_131 : memref<4096xf32, #tpu.memory_space<vmem>>) target(%dma_start3A_128 : memref<4096xf32, #tpu.memory_space<hbm>>) target_semaphore(%arg10 : memref<!tpu.dma_semaphore, #tpu.memory_space<semaphore_mem>>)
    %add3A_132 = arith.constant 1 : i32
    %add3A_133 = arith.addi %mul3A_2, %add3A_132 : i32
    %add3A_134 = arith.constant 13 : i32
    %add3A_135 = arith.addi %mul3A_2, %add3A_134 : i32
    %while3A = arith.subi %add3A_135, %add3A_133 : i32
    %while3A_136 = arith.addi %add3A_133, %while3A : i32
    %while3A_137 = arith.constant 1 : i32
    %while3A_138 = arith.divsi %while3A, %while3A_137 : i32
    %while3A_139 = arith.muli %while3A_138, %while3A_137 : i32
    %while3A_140 = arith.addi %add3A_133, %while3A_139 : i32
    %while3A_141 = arith.constant 1 : i32
    %while3A_142 = scf.for %while3A_191 = %add3A_133 to %while3A_140 step %while3A_141 iter_args(%while3A_192 = %select_n3A) -> (i32)  : i32 {
      %jit3A_193 = arith.constant 16 : i32
      %div3A_194 = arith.divsi %while3A_191, %jit3A_193 : i32
      %sign3A_195 = arith.constant 0 : i32
      %sign3A_196 = arith.cmpi sgt, %while3A_191, %sign3A_195 : i32
      %sign3A_197 = arith.extui %sign3A_196 : i1 to i32
      %sign3A_198 = arith.constant 0 : i32
      %sign3A_199 = arith.cmpi slt, %while3A_191, %sign3A_198 : i32
      %sign3A_200 = arith.extui %sign3A_199 : i1 to i32
      %sign3A_201 = arith.subi %sign3A_197, %sign3A_200 : i32
      %sign3A_202 = arith.constant 0 : i32
      %sign3A_203 = arith.cmpi sgt, %jit3A_193, %sign3A_202 : i32
      %sign3A_204 = arith.extui %sign3A_203 : i1 to i32
      %sign3A_205 = arith.constant 0 : i32
      %sign3A_206 = arith.cmpi slt, %jit3A_193, %sign3A_205 : i32
      %sign3A_207 = arith.extui %sign3A_206 : i1 to i32
      %sign3A_208 = arith.subi %sign3A_204, %sign3A_207 : i32
      %ne3A_209 = arith.cmpi ne, %sign3A_201, %sign3A_208 : i32
      %rem3A_210 = arith.remsi %while3A_191, %jit3A_193 : i32
      %ne3A_211 = arith.constant 0 : i32
      %ne3A_212 = arith.cmpi ne, %rem3A_210, %ne3A_211 : i32
      %and3A_213 = arith.andi %ne3A_209, %ne3A_212 : i1
      %sub3A_214 = arith.constant 1 : i32
      %sub3A_215 = arith.subi %div3A_194, %sub3A_214 : i32
      %select_n3A_216 = arith.select %and3A_213, %sub3A_215, %div3A_194 : i32
      %jit3A_217 = arith.constant 16 : i32
      %eq3A_218 = arith.constant 0 : i32
      %eq3A_219 = arith.cmpi eq, %jit3A_217, %eq3A_218 : i32
      %jit3A_220 = arith.constant 1 : i32
      %select_n3A_221 = arith.select %eq3A_219, %jit3A_220, %jit3A_217 : i32
      %rem3A_222 = arith.remsi %while3A_191, %select_n3A_221 : i32
      %ne3A_223 = arith.constant 0 : i32
      %ne3A_224 = arith.cmpi ne, %rem3A_222, %ne3A_223 : i32
      %lt3A_225 = arith.constant 0 : i32
      %lt3A_226 = arith.cmpi slt, %rem3A_222, %lt3A_225 : i32
      %lt3A_227 = arith.constant 0 : i32
      %lt3A_228 = arith.cmpi slt, %select_n3A_221, %lt3A_227 : i32
      %ne3A_229 = arith.xori %lt3A_226, %lt3A_228 : i1
      %and3A_230 = arith.andi %ne3A_229, %ne3A_224 : i1
      %add3A_231 = arith.addi %rem3A_222, %select_n3A_221 : i32
      %select_n3A_232 = arith.select %and3A_230, %add3A_231, %rem3A_222 : i32
      %dma_start3A_233 = arith.constant 0 : i32
      %dma_start3A_234 = tpu.memref_slice %arg3[%select_n3A_216, %select_n3A_232, %dma_start3A_233] : memref<26x16x100000xf32, #tpu.memory_space<hbm>> -> memref<1x1x100000xf32, #tpu.memory_space<hbm>>
      %dma_start3A_235 = tpu.memref_squeeze %dma_start3A_234 : memref<1x1x100000xf32, #tpu.memory_space<hbm>> -> memref<100000xf32, #tpu.memory_space<hbm>>
      %dma_start3A_236 = arith.constant 0 : i32
      %dma_start3A_237 = tpu.memref_slice %arg3[%select_n3A_216, %select_n3A_232, %dma_start3A_236] : memref<26x16x100000xf32, #tpu.memory_space<hbm>> -> memref<1x1x100000xf32, #tpu.memory_space<hbm>>
      %dma_start3A_238 = tpu.memref_squeeze %dma_start3A_237 : memref<1x1x100000xf32, #tpu.memory_space<hbm>> -> memref<100000xf32, #tpu.memory_space<hbm>>
      tpu.enqueue_dma source(%dma_start3A_238 : memref<100000xf32, #tpu.memory_space<hbm>>) target(%arg5 : memref<100000xf32, #tpu.memory_space<vmem>>) target_semaphore(%arg8 : memref<!tpu.dma_semaphore, #tpu.memory_space<semaphore_mem>>)
      %ne3A_239 = arith.cmpi ne, %select_n3A_216, %while3A_192 : i32
      %convert_element_type3A = arith.extui %ne3A_239 : i1 to i32
      %cond3A = arith.constant 0 : i32
      %cond3A_240 = arith.cmpi ne, %convert_element_type3A, %cond3A : i32
      scf.if %cond3A_240 {
        "tpu.region"() ({
          %run_scoped3A = tpu.sem_alloc : memref<!tpu.dma_semaphore, #tpu.memory_space<semaphore_mem>>
          %dma_start3A_363 = arith.constant 0 : i32
          %dma_start3A_364 = tpu.memref_slice %arg2[%select_n3A_216, %dma_start3A_363] : memref<26x16384xi32, #tpu.memory_space<hbm>> -> memref<1x16384xi32, #tpu.memory_space<hbm>>
          %dma_start3A_365 = tpu.memref_squeeze %dma_start3A_364 : memref<1x16384xi32, #tpu.memory_space<hbm>> -> memref<16384xi32, #tpu.memory_space<hbm>>
          %dma_start3A_366 = arith.constant 0 : i32
          %dma_start3A_367 = tpu.memref_slice %arg2[%select_n3A_216, %dma_start3A_366] : memref<26x16384xi32, #tpu.memory_space<hbm>> -> memref<1x16384xi32, #tpu.memory_space<hbm>>
          %dma_start3A_368 = tpu.memref_squeeze %dma_start3A_367 : memref<1x16384xi32, #tpu.memory_space<hbm>> -> memref<16384xi32, #tpu.memory_space<hbm>>
          tpu.enqueue_dma source(%dma_start3A_368 : memref<16384xi32, #tpu.memory_space<hbm>>) target(%arg6 : memref<16384xi32, #tpu.memory_space<vmem>>) target_semaphore(%run_scoped3A : memref<!tpu.dma_semaphore, #tpu.memory_space<semaphore_mem>>)
          %dma_wait3A_369 = arith.constant 0 : i32
          %dma_wait3A_370 = tpu.memref_slice %arg2[%select_n3A_216, %dma_wait3A_369] : memref<26x16384xi32, #tpu.memory_space<hbm>> -> memref<1x16384xi32, #tpu.memory_space<hbm>>
          %dma_wait3A_371 = tpu.memref_squeeze %dma_wait3A_370 : memref<1x16384xi32, #tpu.memory_space<hbm>> -> memref<16384xi32, #tpu.memory_space<hbm>>
          %dma_wait3A_372 = arith.constant 0 : i32
          %dma_wait3A_373 = tpu.memref_slice %arg2[%select_n3A_216, %dma_wait3A_372] : memref<26x16384xi32, #tpu.memory_space<hbm>> -> memref<1x16384xi32, #tpu.memory_space<hbm>>
          %dma_wait3A_374 = tpu.memref_squeeze %dma_wait3A_373 : memref<1x16384xi32, #tpu.memory_space<hbm>> -> memref<16384xi32, #tpu.memory_space<hbm>>
          tpu.wait_dma2 semaphore(%run_scoped3A : memref<!tpu.dma_semaphore, #tpu.memory_space<semaphore_mem>>) src(%dma_wait3A_374 : memref<16384xi32, #tpu.memory_space<hbm>>) dst(%arg6 : memref<16384xi32, #tpu.memory_space<vmem>>)
          tpu.yield
        }) : () -> ()
      } else {
      }
      %dma_wait3A_241 = arith.constant 0 : i32
      %dma_wait3A_242 = tpu.memref_slice %arg3[%select_n3A_216, %select_n3A_232, %dma_wait3A_241] : memref<26x16x100000xf32, #tpu.memory_space<hbm>> -> memref<1x1x100000xf32, #tpu.memory_space<hbm>>
      %dma_wait3A_243 = tpu.memref_squeeze %dma_wait3A_242 : memref<1x1x100000xf32, #tpu.memory_space<hbm>> -> memref<100000xf32, #tpu.memory_space<hbm>>
      %dma_wait3A_244 = arith.constant 0 : i32
      %dma_wait3A_245 = tpu.memref_slice %arg3[%select_n3A_216, %select_n3A_232, %dma_wait3A_244] : memref<26x16x100000xf32, #tpu.memory_space<hbm>> -> memref<1x1x100000xf32, #tpu.memory_space<hbm>>
      %dma_wait3A_246 = tpu.memref_squeeze %dma_wait3A_245 : memref<1x1x100000xf32, #tpu.memory_space<hbm>> -> memref<100000xf32, #tpu.memory_space<hbm>>
      tpu.wait_dma2 semaphore(%arg8 : memref<!tpu.dma_semaphore, #tpu.memory_space<semaphore_mem>>) src(%dma_wait3A_246 : memref<100000xf32, #tpu.memory_space<hbm>>) dst(%arg5 : memref<100000xf32, #tpu.memory_space<vmem>>)
      %dma_wait3A_247 = arith.constant 0 : i32
      %dma_wait3A_248 = arith.constant 0 : i32
      %dma_wait3A_249 = tpu.memref_slice %arg7[%dma_wait3A_247, %dma_wait3A_248] : memref<2x4096xf32, #tpu.memory_space<vmem>> -> memref<1x4096xf32, #tpu.memory_space<vmem>>
      %dma_wait3A_250 = tpu.memref_squeeze %dma_wait3A_249 : memref<1x4096xf32, #tpu.memory_space<vmem>> -> memref<4096xf32, #tpu.memory_space<vmem>>
      %dma_wait3A_251 = arith.constant 0 : i32
      %dma_wait3A_252 = tpu.memref_slice %arg4[%select_n3A_216, %select_n3A_232, %dma_wait3A_251] : memref<26x16x16384xf32, #tpu.memory_space<hbm>> -> memref<1x1x4096xf32, #tpu.memory_space<hbm>>
      %dma_wait3A_253 = tpu.memref_squeeze %dma_wait3A_252 : memref<1x1x4096xf32, #tpu.memory_space<hbm>> -> memref<4096xf32, #tpu.memory_space<hbm>>
      %dma_wait3A_254 = arith.constant 0 : i32
      %dma_wait3A_255 = tpu.memref_slice %arg4[%select_n3A_216, %select_n3A_232, %dma_wait3A_254] : memref<26x16x16384xf32, #tpu.memory_space<hbm>> -> memref<1x1x4096xf32, #tpu.memory_space<hbm>>
      %dma_wait3A_256 = tpu.memref_squeeze %dma_wait3A_255 : memref<1x1x4096xf32, #tpu.memory_space<hbm>> -> memref<4096xf32, #tpu.memory_space<hbm>>
      %dma_wait3A_257 = arith.constant 0 : i32
      %dma_wait3A_258 = tpu.memref_slice %arg7[%dma_wait3A_247, %dma_wait3A_257] : memref<2x4096xf32, #tpu.memory_space<vmem>> -> memref<1x4096xf32, #tpu.memory_space<vmem>>
      %dma_wait3A_259 = tpu.memref_squeeze %dma_wait3A_258 : memref<1x4096xf32, #tpu.memory_space<vmem>> -> memref<4096xf32, #tpu.memory_space<vmem>>
      tpu.wait_dma2 semaphore(%arg9 : memref<!tpu.dma_semaphore, #tpu.memory_space<semaphore_mem>>) src(%dma_wait3A_259 : memref<4096xf32, #tpu.memory_space<vmem>>) dst(%dma_wait3A_256 : memref<4096xf32, #tpu.memory_space<hbm>>)
      %parallel_loop3A_260 = arith.constant 0 : i32
      %parallel_loop3A_261 = arith.constant 256 : i32
      %parallel_loop3A_262 = arith.constant 1 : i32
      scf.for %parallel_loop3A_363 = %parallel_loop3A_260 to %parallel_loop3A_261 step %parallel_loop3A_262  : i32 {
        %parallel_loop3A_364 = arith.constant 16 : i32
        %parallel_loop3A_365 = arith.muli %parallel_loop3A_363, %parallel_loop3A_364 : i32
        %parallel_loop3A_366 = arith.constant 0 : i32
        %parallel_loop3A_367 = arith.addi %parallel_loop3A_366, %parallel_loop3A_365 : i32
        %parallel_loop3A_368 = arith.index_cast %parallel_loop3A_367 : i32 to index
        %parallel_loop3A_369 = tpu.vector_load %arg6[%parallel_loop3A_368] {strides = array<i32>} : memref<16384xi32, #tpu.memory_space<vmem>>, vector<16xi32>,
        %parallel_loop3A_370 = tpu.vector_load_idx %arg5[%parallel_loop3A_369] : memref<100000xf32, #tpu.memory_space<vmem>>[vector<16xi32>], vector<16xf32>,
        %parallel_loop3A_371 = arith.constant 16 : i32
        %parallel_loop3A_372 = arith.muli %parallel_loop3A_363, %parallel_loop3A_371 : i32
        %parallel_loop3A_373 = arith.constant 0 : i32
        %parallel_loop3A_374 = arith.index_cast %parallel_loop3A_373 : i32 to index
        %parallel_loop3A_375 = arith.index_cast %parallel_loop3A_372 : i32 to index
        %parallel_loop3A_376 = tpu.vector_load %arg7[%parallel_loop3A_374, %parallel_loop3A_375] {strides = array<i32>} : memref<2x4096xf32, #tpu.memory_space<vmem>>, vector<16xf32>,
        tpu.vector_store %arg7[%parallel_loop3A_374, %parallel_loop3A_375], %parallel_loop3A_370 {strides = array<i32>} : memref<2x4096xf32, #tpu.memory_space<vmem>>, vector<16xf32>,
      } {sc.loop_unroll_factor = 8 : i64, sc.parallel_access}
      %dma_start3A_263 = arith.constant 0 : i32
      %dma_start3A_264 = arith.constant 0 : i32
      %dma_start3A_265 = tpu.memref_slice %arg7[%dma_start3A_263, %dma_start3A_264] : memref<2x4096xf32, #tpu.memory_space<vmem>> -> memref<1x4096xf32, #tpu.memory_space<vmem>>
      %dma_start3A_266 = tpu.memref_squeeze %dma_start3A_265 : memref<1x4096xf32, #tpu.memory_space<vmem>> -> memref<4096xf32, #tpu.memory_space<vmem>>
      %dma_start3A_267 = arith.constant 0 : i32
      %dma_start3A_268 = tpu.memref_slice %arg4[%select_n3A_216, %select_n3A_232, %dma_start3A_267] : memref<26x16x16384xf32, #tpu.memory_space<hbm>> -> memref<1x1x4096xf32, #tpu.memory_space<hbm>>
      %dma_start3A_269 = tpu.memref_squeeze %dma_start3A_268 : memref<1x1x4096xf32, #tpu.memory_space<hbm>> -> memref<4096xf32, #tpu.memory_space<hbm>>
      %dma_start3A_270 = arith.constant 0 : i32
      %dma_start3A_271 = tpu.memref_slice %arg4[%select_n3A_216, %select_n3A_232, %dma_start3A_270] : memref<26x16x16384xf32, #tpu.memory_space<hbm>> -> memref<1x1x4096xf32, #tpu.memory_space<hbm>>
      %dma_start3A_272 = tpu.memref_squeeze %dma_start3A_271 : memref<1x1x4096xf32, #tpu.memory_space<hbm>> -> memref<4096xf32, #tpu.memory_space<hbm>>
      %dma_start3A_273 = arith.constant 0 : i32
      %dma_start3A_274 = tpu.memref_slice %arg7[%dma_start3A_263, %dma_start3A_273] : memref<2x4096xf32, #tpu.memory_space<vmem>> -> memref<1x4096xf32, #tpu.memory_space<vmem>>
      %dma_start3A_275 = tpu.memref_squeeze %dma_start3A_274 : memref<1x4096xf32, #tpu.memory_space<vmem>> -> memref<4096xf32, #tpu.memory_space<vmem>>
      tpu.enqueue_dma source(%dma_start3A_275 : memref<4096xf32, #tpu.memory_space<vmem>>) target(%dma_start3A_272 : memref<4096xf32, #tpu.memory_space<hbm>>) target_semaphore(%arg9 : memref<!tpu.dma_semaphore, #tpu.memory_space<semaphore_mem>>)
      %dma_wait3A_276 = arith.constant 1 : i32
      %dma_wait3A_277 = arith.constant 0 : i32
      %dma_wait3A_278 = tpu.memref_slice %arg7[%dma_wait3A_276, %dma_wait3A_277] : memref<2x4096xf32, #tpu.memory_space<vmem>> -> memref<1x4096xf32, #tpu.memory_space<vmem>>
      %dma_wait3A_279 = tpu.memref_squeeze %dma_wait3A_278 : memref<1x4096xf32, #tpu.memory_space<vmem>> -> memref<4096xf32, #tpu.memory_space<vmem>>
      %dma_wait3A_280 = arith.constant 0 : i32
      %dma_wait3A_281 = tpu.memref_slice %arg4[%select_n3A_216, %select_n3A_232, %dma_wait3A_280] : memref<26x16x16384xf32, #tpu.memory_space<hbm>> -> memref<1x1x4096xf32, #tpu.memory_space<hbm>>
      %dma_wait3A_282 = tpu.memref_squeeze %dma_wait3A_281 : memref<1x1x4096xf32, #tpu.memory_space<hbm>> -> memref<4096xf32, #tpu.memory_space<hbm>>
      %dma_wait3A_283 = arith.constant 0 : i32
      %dma_wait3A_284 = tpu.memref_slice %arg4[%select_n3A_216, %select_n3A_232, %dma_wait3A_283] : memref<26x16x16384xf32, #tpu.memory_space<hbm>> -> memref<1x1x4096xf32, #tpu.memory_space<hbm>>
      %dma_wait3A_285 = tpu.memref_squeeze %dma_wait3A_284 : memref<1x1x4096xf32, #tpu.memory_space<hbm>> -> memref<4096xf32, #tpu.memory_space<hbm>>
      %dma_wait3A_286 = arith.constant 0 : i32
      %dma_wait3A_287 = tpu.memref_slice %arg7[%dma_wait3A_276, %dma_wait3A_286] : memref<2x4096xf32, #tpu.memory_space<vmem>> -> memref<1x4096xf32, #tpu.memory_space<vmem>>
      %dma_wait3A_288 = tpu.memref_squeeze %dma_wait3A_287 : memref<1x4096xf32, #tpu.memory_space<vmem>> -> memref<4096xf32, #tpu.memory_space<vmem>>
      tpu.wait_dma2 semaphore(%arg10 : memref<!tpu.dma_semaphore, #tpu.memory_space<semaphore_mem>>) src(%dma_wait3A_288 : memref<4096xf32, #tpu.memory_space<vmem>>) dst(%dma_wait3A_285 : memref<4096xf32, #tpu.memory_space<hbm>>)
      %parallel_loop3A_289 = arith.constant 0 : i32
      %parallel_loop3A_290 = arith.constant 256 : i32
      %parallel_loop3A_291 = arith.constant 1 : i32
      scf.for %parallel_loop3A_363 = %parallel_loop3A_289 to %parallel_loop3A_290 step %parallel_loop3A_291  : i32 {
        %parallel_loop3A_364 = arith.constant 16 : i32
        %parallel_loop3A_365 = arith.muli %parallel_loop3A_363, %parallel_loop3A_364 : i32
        %parallel_loop3A_366 = arith.constant 4096 : i32
        %parallel_loop3A_367 = arith.addi %parallel_loop3A_366, %parallel_loop3A_365 : i32
        %parallel_loop3A_368 = arith.index_cast %parallel_loop3A_367 : i32 to index
        %parallel_loop3A_369 = tpu.vector_load %arg6[%parallel_loop3A_368] {strides = array<i32>} : memref<16384xi32, #tpu.memory_space<vmem>>, vector<16xi32>,
        %parallel_loop3A_370 = tpu.vector_load_idx %arg5[%parallel_loop3A_369] : memref<100000xf32, #tpu.memory_space<vmem>>[vector<16xi32>], vector<16xf32>,
        %parallel_loop3A_371 = arith.constant 16 : i32
        %parallel_loop3A_372 = arith.muli %parallel_loop3A_363, %parallel_loop3A_371 : i32
        %parallel_loop3A_373 = arith.constant 1 : i32
        %parallel_loop3A_374 = arith.index_cast %parallel_loop3A_373 : i32 to index
        %parallel_loop3A_375 = arith.index_cast %parallel_loop3A_372 : i32 to index
        %parallel_loop3A_376 = tpu.vector_load %arg7[%parallel_loop3A_374, %parallel_loop3A_375] {strides = array<i32>} : memref<2x4096xf32, #tpu.memory_space<vmem>>, vector<16xf32>,
        tpu.vector_store %arg7[%parallel_loop3A_374, %parallel_loop3A_375], %parallel_loop3A_370 {strides = array<i32>} : memref<2x4096xf32, #tpu.memory_space<vmem>>, vector<16xf32>,
      } {sc.loop_unroll_factor = 8 : i64, sc.parallel_access}
      %dma_start3A_292 = arith.constant 1 : i32
      %dma_start3A_293 = arith.constant 0 : i32
      %dma_start3A_294 = tpu.memref_slice %arg7[%dma_start3A_292, %dma_start3A_293] : memref<2x4096xf32, #tpu.memory_space<vmem>> -> memref<1x4096xf32, #tpu.memory_space<vmem>>
      %dma_start3A_295 = tpu.memref_squeeze %dma_start3A_294 : memref<1x4096xf32, #tpu.memory_space<vmem>> -> memref<4096xf32, #tpu.memory_space<vmem>>
      %dma_start3A_296 = arith.constant 4096 : i32
      %dma_start3A_297 = tpu.memref_slice %arg4[%select_n3A_216, %select_n3A_232, %dma_start3A_296] : memref<26x16x16384xf32, #tpu.memory_space<hbm>> -> memref<1x1x4096xf32, #tpu.memory_space<hbm>>
      %dma_start3A_298 = tpu.memref_squeeze %dma_start3A_297 : memref<1x1x4096xf32, #tpu.memory_space<hbm>> -> memref<4096xf32, #tpu.memory_space<hbm>>
      %dma_start3A_299 = arith.constant 4096 : i32
      %dma_start3A_300 = tpu.memref_slice %arg4[%select_n3A_216, %select_n3A_232, %dma_start3A_299] : memref<26x16x16384xf32, #tpu.memory_space<hbm>> -> memref<1x1x4096xf32, #tpu.memory_space<hbm>>
      %dma_start3A_301 = tpu.memref_squeeze %dma_start3A_300 : memref<1x1x4096xf32, #tpu.memory_space<hbm>> -> memref<4096xf32, #tpu.memory_space<hbm>>
      %dma_start3A_302 = arith.constant 0 : i32
      %dma_start3A_303 = tpu.memref_slice %arg7[%dma_start3A_292, %dma_start3A_302] : memref<2x4096xf32, #tpu.memory_space<vmem>> -> memref<1x4096xf32, #tpu.memory_space<vmem>>
      %dma_start3A_304 = tpu.memref_squeeze %dma_start3A_303 : memref<1x4096xf32, #tpu.memory_space<vmem>> -> memref<4096xf32, #tpu.memory_space<vmem>>
      tpu.enqueue_dma source(%dma_start3A_304 : memref<4096xf32, #tpu.memory_space<vmem>>) target(%dma_start3A_301 : memref<4096xf32, #tpu.memory_space<hbm>>) target_semaphore(%arg10 : memref<!tpu.dma_semaphore, #tpu.memory_space<semaphore_mem>>)
      %dma_wait3A_305 = arith.constant 0 : i32
      %dma_wait3A_306 = arith.constant 0 : i32
      %dma_wait3A_307 = tpu.memref_slice %arg7[%dma_wait3A_305, %dma_wait3A_306] : memref<2x4096xf32, #tpu.memory_space<vmem>> -> memref<1x4096xf32, #tpu.memory_space<vmem>>
      %dma_wait3A_308 = tpu.memref_squeeze %dma_wait3A_307 : memref<1x4096xf32, #tpu.memory_space<vmem>> -> memref<4096xf32, #tpu.memory_space<vmem>>
      %dma_wait3A_309 = arith.constant 0 : i32
      %dma_wait3A_310 = tpu.memref_slice %arg4[%select_n3A_216, %select_n3A_232, %dma_wait3A_309] : memref<26x16x16384xf32, #tpu.memory_space<hbm>> -> memref<1x1x4096xf32, #tpu.memory_space<hbm>>
      %dma_wait3A_311 = tpu.memref_squeeze %dma_wait3A_310 : memref<1x1x4096xf32, #tpu.memory_space<hbm>> -> memref<4096xf32, #tpu.memory_space<hbm>>
      %dma_wait3A_312 = arith.constant 0 : i32
      %dma_wait3A_313 = tpu.memref_slice %arg4[%select_n3A_216, %select_n3A_232, %dma_wait3A_312] : memref<26x16x16384xf32, #tpu.memory_space<hbm>> -> memref<1x1x4096xf32, #tpu.memory_space<hbm>>
      %dma_wait3A_314 = tpu.memref_squeeze %dma_wait3A_313 : memref<1x1x4096xf32, #tpu.memory_space<hbm>> -> memref<4096xf32, #tpu.memory_space<hbm>>
      %dma_wait3A_315 = arith.constant 0 : i32
      %dma_wait3A_316 = tpu.memref_slice %arg7[%dma_wait3A_305, %dma_wait3A_315] : memref<2x4096xf32, #tpu.memory_space<vmem>> -> memref<1x4096xf32, #tpu.memory_space<vmem>>
      %dma_wait3A_317 = tpu.memref_squeeze %dma_wait3A_316 : memref<1x4096xf32, #tpu.memory_space<vmem>> -> memref<4096xf32, #tpu.memory_space<vmem>>
      tpu.wait_dma2 semaphore(%arg9 : memref<!tpu.dma_semaphore, #tpu.memory_space<semaphore_mem>>) src(%dma_wait3A_317 : memref<4096xf32, #tpu.memory_space<vmem>>) dst(%dma_wait3A_314 : memref<4096xf32, #tpu.memory_space<hbm>>)
      %parallel_loop3A_318 = arith.constant 0 : i32
      %parallel_loop3A_319 = arith.constant 256 : i32
      %parallel_loop3A_320 = arith.constant 1 : i32
      scf.for %parallel_loop3A_363 = %parallel_loop3A_318 to %parallel_loop3A_319 step %parallel_loop3A_320  : i32 {
        %parallel_loop3A_364 = arith.constant 16 : i32
        %parallel_loop3A_365 = arith.muli %parallel_loop3A_363, %parallel_loop3A_364 : i32
        %parallel_loop3A_366 = arith.constant 8192 : i32
        %parallel_loop3A_367 = arith.addi %parallel_loop3A_366, %parallel_loop3A_365 : i32
        %parallel_loop3A_368 = arith.index_cast %parallel_loop3A_367 : i32 to index
        %parallel_loop3A_369 = tpu.vector_load %arg6[%parallel_loop3A_368] {strides = array<i32>} : memref<16384xi32, #tpu.memory_space<vmem>>, vector<16xi32>,
        %parallel_loop3A_370 = tpu.vector_load_idx %arg5[%parallel_loop3A_369] : memref<100000xf32, #tpu.memory_space<vmem>>[vector<16xi32>], vector<16xf32>,
        %parallel_loop3A_371 = arith.constant 16 : i32
        %parallel_loop3A_372 = arith.muli %parallel_loop3A_363, %parallel_loop3A_371 : i32
        %parallel_loop3A_373 = arith.constant 0 : i32
        %parallel_loop3A_374 = arith.index_cast %parallel_loop3A_373 : i32 to index
        %parallel_loop3A_375 = arith.index_cast %parallel_loop3A_372 : i32 to index
        %parallel_loop3A_376 = tpu.vector_load %arg7[%parallel_loop3A_374, %parallel_loop3A_375] {strides = array<i32>} : memref<2x4096xf32, #tpu.memory_space<vmem>>, vector<16xf32>,
        tpu.vector_store %arg7[%parallel_loop3A_374, %parallel_loop3A_375], %parallel_loop3A_370 {strides = array<i32>} : memref<2x4096xf32, #tpu.memory_space<vmem>>, vector<16xf32>,
      } {sc.loop_unroll_factor = 8 : i64, sc.parallel_access}
      %dma_start3A_321 = arith.constant 0 : i32
      %dma_start3A_322 = arith.constant 0 : i32
      %dma_start3A_323 = tpu.memref_slice %arg7[%dma_start3A_321, %dma_start3A_322] : memref<2x4096xf32, #tpu.memory_space<vmem>> -> memref<1x4096xf32, #tpu.memory_space<vmem>>
      %dma_start3A_324 = tpu.memref_squeeze %dma_start3A_323 : memref<1x4096xf32, #tpu.memory_space<vmem>> -> memref<4096xf32, #tpu.memory_space<vmem>>
      %dma_start3A_325 = arith.constant 8192 : i32
      %dma_start3A_326 = tpu.memref_slice %arg4[%select_n3A_216, %select_n3A_232, %dma_start3A_325] : memref<26x16x16384xf32, #tpu.memory_space<hbm>> -> memref<1x1x4096xf32, #tpu.memory_space<hbm>>
      %dma_start3A_327 = tpu.memref_squeeze %dma_start3A_326 : memref<1x1x4096xf32, #tpu.memory_space<hbm>> -> memref<4096xf32, #tpu.memory_space<hbm>>
      %dma_start3A_328 = arith.constant 8192 : i32
      %dma_start3A_329 = tpu.memref_slice %arg4[%select_n3A_216, %select_n3A_232, %dma_start3A_328] : memref<26x16x16384xf32, #tpu.memory_space<hbm>> -> memref<1x1x4096xf32, #tpu.memory_space<hbm>>
      %dma_start3A_330 = tpu.memref_squeeze %dma_start3A_329 : memref<1x1x4096xf32, #tpu.memory_space<hbm>> -> memref<4096xf32, #tpu.memory_space<hbm>>
      %dma_start3A_331 = arith.constant 0 : i32
      %dma_start3A_332 = tpu.memref_slice %arg7[%dma_start3A_321, %dma_start3A_331] : memref<2x4096xf32, #tpu.memory_space<vmem>> -> memref<1x4096xf32, #tpu.memory_space<vmem>>
      %dma_start3A_333 = tpu.memref_squeeze %dma_start3A_332 : memref<1x4096xf32, #tpu.memory_space<vmem>> -> memref<4096xf32, #tpu.memory_space<vmem>>
      tpu.enqueue_dma source(%dma_start3A_333 : memref<4096xf32, #tpu.memory_space<vmem>>) target(%dma_start3A_330 : memref<4096xf32, #tpu.memory_space<hbm>>) target_semaphore(%arg9 : memref<!tpu.dma_semaphore, #tpu.memory_space<semaphore_mem>>)
      %dma_wait3A_334 = arith.constant 1 : i32
      %dma_wait3A_335 = arith.constant 0 : i32
      %dma_wait3A_336 = tpu.memref_slice %arg7[%dma_wait3A_334, %dma_wait3A_335] : memref<2x4096xf32, #tpu.memory_space<vmem>> -> memref<1x4096xf32, #tpu.memory_space<vmem>>
      %dma_wait3A_337 = tpu.memref_squeeze %dma_wait3A_336 : memref<1x4096xf32, #tpu.memory_space<vmem>> -> memref<4096xf32, #tpu.memory_space<vmem>>
      %dma_wait3A_338 = arith.constant 0 : i32
      %dma_wait3A_339 = tpu.memref_slice %arg4[%select_n3A_216, %select_n3A_232, %dma_wait3A_338] : memref<26x16x16384xf32, #tpu.memory_space<hbm>> -> memref<1x1x4096xf32, #tpu.memory_space<hbm>>
      %dma_wait3A_340 = tpu.memref_squeeze %dma_wait3A_339 : memref<1x1x4096xf32, #tpu.memory_space<hbm>> -> memref<4096xf32, #tpu.memory_space<hbm>>
      %dma_wait3A_341 = arith.constant 0 : i32
      %dma_wait3A_342 = tpu.memref_slice %arg4[%select_n3A_216, %select_n3A_232, %dma_wait3A_341] : memref<26x16x16384xf32, #tpu.memory_space<hbm>> -> memref<1x1x4096xf32, #tpu.memory_space<hbm>>
      %dma_wait3A_343 = tpu.memref_squeeze %dma_wait3A_342 : memref<1x1x4096xf32, #tpu.memory_space<hbm>> -> memref<4096xf32, #tpu.memory_space<hbm>>
      %dma_wait3A_344 = arith.constant 0 : i32
      %dma_wait3A_345 = tpu.memref_slice %arg7[%dma_wait3A_334, %dma_wait3A_344] : memref<2x4096xf32, #tpu.memory_space<vmem>> -> memref<1x4096xf32, #tpu.memory_space<vmem>>
      %dma_wait3A_346 = tpu.memref_squeeze %dma_wait3A_345 : memref<1x4096xf32, #tpu.memory_space<vmem>> -> memref<4096xf32, #tpu.memory_space<vmem>>
      tpu.wait_dma2 semaphore(%arg10 : memref<!tpu.dma_semaphore, #tpu.memory_space<semaphore_mem>>) src(%dma_wait3A_346 : memref<4096xf32, #tpu.memory_space<vmem>>) dst(%dma_wait3A_343 : memref<4096xf32, #tpu.memory_space<hbm>>)
      %parallel_loop3A_347 = arith.constant 0 : i32
      %parallel_loop3A_348 = arith.constant 256 : i32
      %parallel_loop3A_349 = arith.constant 1 : i32
      scf.for %parallel_loop3A_363 = %parallel_loop3A_347 to %parallel_loop3A_348 step %parallel_loop3A_349  : i32 {
        %parallel_loop3A_364 = arith.constant 16 : i32
        %parallel_loop3A_365 = arith.muli %parallel_loop3A_363, %parallel_loop3A_364 : i32
        %parallel_loop3A_366 = arith.constant 12288 : i32
        %parallel_loop3A_367 = arith.addi %parallel_loop3A_366, %parallel_loop3A_365 : i32
        %parallel_loop3A_368 = arith.index_cast %parallel_loop3A_367 : i32 to index
        %parallel_loop3A_369 = tpu.vector_load %arg6[%parallel_loop3A_368] {strides = array<i32>} : memref<16384xi32, #tpu.memory_space<vmem>>, vector<16xi32>,
        %parallel_loop3A_370 = tpu.vector_load_idx %arg5[%parallel_loop3A_369] : memref<100000xf32, #tpu.memory_space<vmem>>[vector<16xi32>], vector<16xf32>,
        %parallel_loop3A_371 = arith.constant 16 : i32
        %parallel_loop3A_372 = arith.muli %parallel_loop3A_363, %parallel_loop3A_371 : i32
        %parallel_loop3A_373 = arith.constant 1 : i32
        %parallel_loop3A_374 = arith.index_cast %parallel_loop3A_373 : i32 to index
        %parallel_loop3A_375 = arith.index_cast %parallel_loop3A_372 : i32 to index
        %parallel_loop3A_376 = tpu.vector_load %arg7[%parallel_loop3A_374, %parallel_loop3A_375] {strides = array<i32>} : memref<2x4096xf32, #tpu.memory_space<vmem>>, vector<16xf32>,
        tpu.vector_store %arg7[%parallel_loop3A_374, %parallel_loop3A_375], %parallel_loop3A_370 {strides = array<i32>} : memref<2x4096xf32, #tpu.memory_space<vmem>>, vector<16xf32>,
      } {sc.loop_unroll_factor = 8 : i64, sc.parallel_access}
      %dma_start3A_350 = arith.constant 1 : i32
      %dma_start3A_351 = arith.constant 0 : i32
      %dma_start3A_352 = tpu.memref_slice %arg7[%dma_start3A_350, %dma_start3A_351] : memref<2x4096xf32, #tpu.memory_space<vmem>> -> memref<1x4096xf32, #tpu.memory_space<vmem>>
      %dma_start3A_353 = tpu.memref_squeeze %dma_start3A_352 : memref<1x4096xf32, #tpu.memory_space<vmem>> -> memref<4096xf32, #tpu.memory_space<vmem>>
      %dma_start3A_354 = arith.constant 12288 : i32
      %dma_start3A_355 = tpu.memref_slice %arg4[%select_n3A_216, %select_n3A_232, %dma_start3A_354] : memref<26x16x16384xf32, #tpu.memory_space<hbm>> -> memref<1x1x4096xf32, #tpu.memory_space<hbm>>
      %dma_start3A_356 = tpu.memref_squeeze %dma_start3A_355 : memref<1x1x4096xf32, #tpu.memory_space<hbm>> -> memref<4096xf32, #tpu.memory_space<hbm>>
      %dma_start3A_357 = arith.constant 12288 : i32
      %dma_start3A_358 = tpu.memref_slice %arg4[%select_n3A_216, %select_n3A_232, %dma_start3A_357] : memref<26x16x16384xf32, #tpu.memory_space<hbm>> -> memref<1x1x4096xf32, #tpu.memory_space<hbm>>
      %dma_start3A_359 = tpu.memref_squeeze %dma_start3A_358 : memref<1x1x4096xf32, #tpu.memory_space<hbm>> -> memref<4096xf32, #tpu.memory_space<hbm>>
      %dma_start3A_360 = arith.constant 0 : i32
      %dma_start3A_361 = tpu.memref_slice %arg7[%dma_start3A_350, %dma_start3A_360] : memref<2x4096xf32, #tpu.memory_space<vmem>> -> memref<1x4096xf32, #tpu.memory_space<vmem>>
      %dma_start3A_362 = tpu.memref_squeeze %dma_start3A_361 : memref<1x4096xf32, #tpu.memory_space<vmem>> -> memref<4096xf32, #tpu.memory_space<vmem>>
      tpu.enqueue_dma source(%dma_start3A_362 : memref<4096xf32, #tpu.memory_space<vmem>>) target(%dma_start3A_359 : memref<4096xf32, #tpu.memory_space<hbm>>) target_semaphore(%arg10 : memref<!tpu.dma_semaphore, #tpu.memory_space<semaphore_mem>>)
      scf.yield %select_n3A_216 : i32
    }
    %while3A_143 = arith.constant 1 : i32
    %while3A_144 = scf.for %while3A_191 = %while3A_140 to %while3A_136 step %while3A_143 iter_args(%while3A_192 = %while3A_142) -> (i32)  : i32 {
      %jit3A_193 = arith.constant 16 : i32
      %div3A_194 = arith.divsi %while3A_191, %jit3A_193 : i32
      %sign3A_195 = arith.constant 0 : i32
      %sign3A_196 = arith.cmpi sgt, %while3A_191, %sign3A_195 : i32
      %sign3A_197 = arith.extui %sign3A_196 : i1 to i32
      %sign3A_198 = arith.constant 0 : i32
      %sign3A_199 = arith.cmpi slt, %while3A_191, %sign3A_198 : i32
      %sign3A_200 = arith.extui %sign3A_199 : i1 to i32
      %sign3A_201 = arith.subi %sign3A_197, %sign3A_200 : i32
      %sign3A_202 = arith.constant 0 : i32
      %sign3A_203 = arith.cmpi sgt, %jit3A_193, %sign3A_202 : i32
      %sign3A_204 = arith.extui %sign3A_203 : i1 to i32
      %sign3A_205 = arith.constant 0 : i32
      %sign3A_206 = arith.cmpi slt, %jit3A_193, %sign3A_205 : i32
      %sign3A_207 = arith.extui %sign3A_206 : i1 to i32
      %sign3A_208 = arith.subi %sign3A_204, %sign3A_207 : i32
      %ne3A_209 = arith.cmpi ne, %sign3A_201, %sign3A_208 : i32
      %rem3A_210 = arith.remsi %while3A_191, %jit3A_193 : i32
      %ne3A_211 = arith.constant 0 : i32
      %ne3A_212 = arith.cmpi ne, %rem3A_210, %ne3A_211 : i32
      %and3A_213 = arith.andi %ne3A_209, %ne3A_212 : i1
      %sub3A_214 = arith.constant 1 : i32
      %sub3A_215 = arith.subi %div3A_194, %sub3A_214 : i32
      %select_n3A_216 = arith.select %and3A_213, %sub3A_215, %div3A_194 : i32
      %jit3A_217 = arith.constant 16 : i32
      %eq3A_218 = arith.constant 0 : i32
      %eq3A_219 = arith.cmpi eq, %jit3A_217, %eq3A_218 : i32
      %jit3A_220 = arith.constant 1 : i32
      %select_n3A_221 = arith.select %eq3A_219, %jit3A_220, %jit3A_217 : i32
      %rem3A_222 = arith.remsi %while3A_191, %select_n3A_221 : i32
      %ne3A_223 = arith.constant 0 : i32
      %ne3A_224 = arith.cmpi ne, %rem3A_222, %ne3A_223 : i32
      %lt3A_225 = arith.constant 0 : i32
      %lt3A_226 = arith.cmpi slt, %rem3A_222, %lt3A_225 : i32
      %lt3A_227 = arith.constant 0 : i32
      %lt3A_228 = arith.cmpi slt, %select_n3A_221, %lt3A_227 : i32
      %ne3A_229 = arith.xori %lt3A_226, %lt3A_228 : i1
      %and3A_230 = arith.andi %ne3A_229, %ne3A_224 : i1
      %add3A_231 = arith.addi %rem3A_222, %select_n3A_221 : i32
      %select_n3A_232 = arith.select %and3A_230, %add3A_231, %rem3A_222 : i32
      %dma_start3A_233 = arith.constant 0 : i32
      %dma_start3A_234 = tpu.memref_slice %arg3[%select_n3A_216, %select_n3A_232, %dma_start3A_233] : memref<26x16x100000xf32, #tpu.memory_space<hbm>> -> memref<1x1x100000xf32, #tpu.memory_space<hbm>>
      %dma_start3A_235 = tpu.memref_squeeze %dma_start3A_234 : memref<1x1x100000xf32, #tpu.memory_space<hbm>> -> memref<100000xf32, #tpu.memory_space<hbm>>
      %dma_start3A_236 = arith.constant 0 : i32
      %dma_start3A_237 = tpu.memref_slice %arg3[%select_n3A_216, %select_n3A_232, %dma_start3A_236] : memref<26x16x100000xf32, #tpu.memory_space<hbm>> -> memref<1x1x100000xf32, #tpu.memory_space<hbm>>
      %dma_start3A_238 = tpu.memref_squeeze %dma_start3A_237 : memref<1x1x100000xf32, #tpu.memory_space<hbm>> -> memref<100000xf32, #tpu.memory_space<hbm>>
      tpu.enqueue_dma source(%dma_start3A_238 : memref<100000xf32, #tpu.memory_space<hbm>>) target(%arg5 : memref<100000xf32, #tpu.memory_space<vmem>>) target_semaphore(%arg8 : memref<!tpu.dma_semaphore, #tpu.memory_space<semaphore_mem>>)
      %ne3A_239 = arith.cmpi ne, %select_n3A_216, %while3A_192 : i32
      %convert_element_type3A = arith.extui %ne3A_239 : i1 to i32
      %cond3A = arith.constant 0 : i32
      %cond3A_240 = arith.cmpi ne, %convert_element_type3A, %cond3A : i32
      scf.if %cond3A_240 {
        "tpu.region"() ({
          %run_scoped3A = tpu.sem_alloc : memref<!tpu.dma_semaphore, #tpu.memory_space<semaphore_mem>>
          %dma_start3A_363 = arith.constant 0 : i32
          %dma_start3A_364 = tpu.memref_slice %arg2[%select_n3A_216, %dma_start3A_363] : memref<26x16384xi32, #tpu.memory_space<hbm>> -> memref<1x16384xi32, #tpu.memory_space<hbm>>
          %dma_start3A_365 = tpu.memref_squeeze %dma_start3A_364 : memref<1x16384xi32, #tpu.memory_space<hbm>> -> memref<16384xi32, #tpu.memory_space<hbm>>
          %dma_start3A_366 = arith.constant 0 : i32
          %dma_start3A_367 = tpu.memref_slice %arg2[%select_n3A_216, %dma_start3A_366] : memref<26x16384xi32, #tpu.memory_space<hbm>> -> memref<1x16384xi32, #tpu.memory_space<hbm>>
          %dma_start3A_368 = tpu.memref_squeeze %dma_start3A_367 : memref<1x16384xi32, #tpu.memory_space<hbm>> -> memref<16384xi32, #tpu.memory_space<hbm>>
          tpu.enqueue_dma source(%dma_start3A_368 : memref<16384xi32, #tpu.memory_space<hbm>>) target(%arg6 : memref<16384xi32, #tpu.memory_space<vmem>>) target_semaphore(%run_scoped3A : memref<!tpu.dma_semaphore, #tpu.memory_space<semaphore_mem>>)
          %dma_wait3A_369 = arith.constant 0 : i32
          %dma_wait3A_370 = tpu.memref_slice %arg2[%select_n3A_216, %dma_wait3A_369] : memref<26x16384xi32, #tpu.memory_space<hbm>> -> memref<1x16384xi32, #tpu.memory_space<hbm>>
          %dma_wait3A_371 = tpu.memref_squeeze %dma_wait3A_370 : memref<1x16384xi32, #tpu.memory_space<hbm>> -> memref<16384xi32, #tpu.memory_space<hbm>>
          %dma_wait3A_372 = arith.constant 0 : i32
          %dma_wait3A_373 = tpu.memref_slice %arg2[%select_n3A_216, %dma_wait3A_372] : memref<26x16384xi32, #tpu.memory_space<hbm>> -> memref<1x16384xi32, #tpu.memory_space<hbm>>
          %dma_wait3A_374 = tpu.memref_squeeze %dma_wait3A_373 : memref<1x16384xi32, #tpu.memory_space<hbm>> -> memref<16384xi32, #tpu.memory_space<hbm>>
          tpu.wait_dma2 semaphore(%run_scoped3A : memref<!tpu.dma_semaphore, #tpu.memory_space<semaphore_mem>>) src(%dma_wait3A_374 : memref<16384xi32, #tpu.memory_space<hbm>>) dst(%arg6 : memref<16384xi32, #tpu.memory_space<vmem>>)
          tpu.yield
        }) : () -> ()
      } else {
      }
      %dma_wait3A_241 = arith.constant 0 : i32
      %dma_wait3A_242 = tpu.memref_slice %arg3[%select_n3A_216, %select_n3A_232, %dma_wait3A_241] : memref<26x16x100000xf32, #tpu.memory_space<hbm>> -> memref<1x1x100000xf32, #tpu.memory_space<hbm>>
      %dma_wait3A_243 = tpu.memref_squeeze %dma_wait3A_242 : memref<1x1x100000xf32, #tpu.memory_space<hbm>> -> memref<100000xf32, #tpu.memory_space<hbm>>
      %dma_wait3A_244 = arith.constant 0 : i32
      %dma_wait3A_245 = tpu.memref_slice %arg3[%select_n3A_216, %select_n3A_232, %dma_wait3A_244] : memref<26x16x100000xf32, #tpu.memory_space<hbm>> -> memref<1x1x100000xf32, #tpu.memory_space<hbm>>
      %dma_wait3A_246 = tpu.memref_squeeze %dma_wait3A_245 : memref<1x1x100000xf32, #tpu.memory_space<hbm>> -> memref<100000xf32, #tpu.memory_space<hbm>>
      tpu.wait_dma2 semaphore(%arg8 : memref<!tpu.dma_semaphore, #tpu.memory_space<semaphore_mem>>) src(%dma_wait3A_246 : memref<100000xf32, #tpu.memory_space<hbm>>) dst(%arg5 : memref<100000xf32, #tpu.memory_space<vmem>>)
      %dma_wait3A_247 = arith.constant 0 : i32
      %dma_wait3A_248 = arith.constant 0 : i32
      %dma_wait3A_249 = tpu.memref_slice %arg7[%dma_wait3A_247, %dma_wait3A_248] : memref<2x4096xf32, #tpu.memory_space<vmem>> -> memref<1x4096xf32, #tpu.memory_space<vmem>>
      %dma_wait3A_250 = tpu.memref_squeeze %dma_wait3A_249 : memref<1x4096xf32, #tpu.memory_space<vmem>> -> memref<4096xf32, #tpu.memory_space<vmem>>
      %dma_wait3A_251 = arith.constant 0 : i32
      %dma_wait3A_252 = tpu.memref_slice %arg4[%select_n3A_216, %select_n3A_232, %dma_wait3A_251] : memref<26x16x16384xf32, #tpu.memory_space<hbm>> -> memref<1x1x4096xf32, #tpu.memory_space<hbm>>
      %dma_wait3A_253 = tpu.memref_squeeze %dma_wait3A_252 : memref<1x1x4096xf32, #tpu.memory_space<hbm>> -> memref<4096xf32, #tpu.memory_space<hbm>>
      %dma_wait3A_254 = arith.constant 0 : i32
      %dma_wait3A_255 = tpu.memref_slice %arg4[%select_n3A_216, %select_n3A_232, %dma_wait3A_254] : memref<26x16x16384xf32, #tpu.memory_space<hbm>> -> memref<1x1x4096xf32, #tpu.memory_space<hbm>>
      %dma_wait3A_256 = tpu.memref_squeeze %dma_wait3A_255 : memref<1x1x4096xf32, #tpu.memory_space<hbm>> -> memref<4096xf32, #tpu.memory_space<hbm>>
      %dma_wait3A_257 = arith.constant 0 : i32
      %dma_wait3A_258 = tpu.memref_slice %arg7[%dma_wait3A_247, %dma_wait3A_257] : memref<2x4096xf32, #tpu.memory_space<vmem>> -> memref<1x4096xf32, #tpu.memory_space<vmem>>
      %dma_wait3A_259 = tpu.memref_squeeze %dma_wait3A_258 : memref<1x4096xf32, #tpu.memory_space<vmem>> -> memref<4096xf32, #tpu.memory_space<vmem>>
      tpu.wait_dma2 semaphore(%arg9 : memref<!tpu.dma_semaphore, #tpu.memory_space<semaphore_mem>>) src(%dma_wait3A_259 : memref<4096xf32, #tpu.memory_space<vmem>>) dst(%dma_wait3A_256 : memref<4096xf32, #tpu.memory_space<hbm>>)
      %parallel_loop3A_260 = arith.constant 0 : i32
      %parallel_loop3A_261 = arith.constant 256 : i32
      %parallel_loop3A_262 = arith.constant 1 : i32
      scf.for %parallel_loop3A_363 = %parallel_loop3A_260 to %parallel_loop3A_261 step %parallel_loop3A_262  : i32 {
        %parallel_loop3A_364 = arith.constant 16 : i32
        %parallel_loop3A_365 = arith.muli %parallel_loop3A_363, %parallel_loop3A_364 : i32
        %parallel_loop3A_366 = arith.constant 0 : i32
        %parallel_loop3A_367 = arith.addi %parallel_loop3A_366, %parallel_loop3A_365 : i32
        %parallel_loop3A_368 = arith.index_cast %parallel_loop3A_367 : i32 to index
        %parallel_loop3A_369 = tpu.vector_load %arg6[%parallel_loop3A_368] {strides = array<i32>} : memref<16384xi32, #tpu.memory_space<vmem>>, vector<16xi32>,
        %parallel_loop3A_370 = tpu.vector_load_idx %arg5[%parallel_loop3A_369] : memref<100000xf32, #tpu.memory_space<vmem>>[vector<16xi32>], vector<16xf32>,
        %parallel_loop3A_371 = arith.constant 16 : i32
        %parallel_loop3A_372 = arith.muli %parallel_loop3A_363, %parallel_loop3A_371 : i32
        %parallel_loop3A_373 = arith.constant 0 : i32
        %parallel_loop3A_374 = arith.index_cast %parallel_loop3A_373 : i32 to index
        %parallel_loop3A_375 = arith.index_cast %parallel_loop3A_372 : i32 to index
        %parallel_loop3A_376 = tpu.vector_load %arg7[%parallel_loop3A_374, %parallel_loop3A_375] {strides = array<i32>} : memref<2x4096xf32, #tpu.memory_space<vmem>>, vector<16xf32>,
        tpu.vector_store %arg7[%parallel_loop3A_374, %parallel_loop3A_375], %parallel_loop3A_370 {strides = array<i32>} : memref<2x4096xf32, #tpu.memory_space<vmem>>, vector<16xf32>,
      } {sc.loop_unroll_factor = 8 : i64, sc.parallel_access}
      %dma_start3A_263 = arith.constant 0 : i32
      %dma_start3A_264 = arith.constant 0 : i32
      %dma_start3A_265 = tpu.memref_slice %arg7[%dma_start3A_263, %dma_start3A_264] : memref<2x4096xf32, #tpu.memory_space<vmem>> -> memref<1x4096xf32, #tpu.memory_space<vmem>>
      %dma_start3A_266 = tpu.memref_squeeze %dma_start3A_265 : memref<1x4096xf32, #tpu.memory_space<vmem>> -> memref<4096xf32, #tpu.memory_space<vmem>>
      %dma_start3A_267 = arith.constant 0 : i32
      %dma_start3A_268 = tpu.memref_slice %arg4[%select_n3A_216, %select_n3A_232, %dma_start3A_267] : memref<26x16x16384xf32, #tpu.memory_space<hbm>> -> memref<1x1x4096xf32, #tpu.memory_space<hbm>>
      %dma_start3A_269 = tpu.memref_squeeze %dma_start3A_268 : memref<1x1x4096xf32, #tpu.memory_space<hbm>> -> memref<4096xf32, #tpu.memory_space<hbm>>
      %dma_start3A_270 = arith.constant 0 : i32
      %dma_start3A_271 = tpu.memref_slice %arg4[%select_n3A_216, %select_n3A_232, %dma_start3A_270] : memref<26x16x16384xf32, #tpu.memory_space<hbm>> -> memref<1x1x4096xf32, #tpu.memory_space<hbm>>
      %dma_start3A_272 = tpu.memref_squeeze %dma_start3A_271 : memref<1x1x4096xf32, #tpu.memory_space<hbm>> -> memref<4096xf32, #tpu.memory_space<hbm>>
      %dma_start3A_273 = arith.constant 0 : i32
      %dma_start3A_274 = tpu.memref_slice %arg7[%dma_start3A_263, %dma_start3A_273] : memref<2x4096xf32, #tpu.memory_space<vmem>> -> memref<1x4096xf32, #tpu.memory_space<vmem>>
      %dma_start3A_275 = tpu.memref_squeeze %dma_start3A_274 : memref<1x4096xf32, #tpu.memory_space<vmem>> -> memref<4096xf32, #tpu.memory_space<vmem>>
      tpu.enqueue_dma source(%dma_start3A_275 : memref<4096xf32, #tpu.memory_space<vmem>>) target(%dma_start3A_272 : memref<4096xf32, #tpu.memory_space<hbm>>) target_semaphore(%arg9 : memref<!tpu.dma_semaphore, #tpu.memory_space<semaphore_mem>>)
      %dma_wait3A_276 = arith.constant 1 : i32
      %dma_wait3A_277 = arith.constant 0 : i32
      %dma_wait3A_278 = tpu.memref_slice %arg7[%dma_wait3A_276, %dma_wait3A_277] : memref<2x4096xf32, #tpu.memory_space<vmem>> -> memref<1x4096xf32, #tpu.memory_space<vmem>>
      %dma_wait3A_279 = tpu.memref_squeeze %dma_wait3A_278 : memref<1x4096xf32, #tpu.memory_space<vmem>> -> memref<4096xf32, #tpu.memory_space<vmem>>
      %dma_wait3A_280 = arith.constant 0 : i32
      %dma_wait3A_281 = tpu.memref_slice %arg4[%select_n3A_216, %select_n3A_232, %dma_wait3A_280] : memref<26x16x16384xf32, #tpu.memory_space<hbm>> -> memref<1x1x4096xf32, #tpu.memory_space<hbm>>
      %dma_wait3A_282 = tpu.memref_squeeze %dma_wait3A_281 : memref<1x1x4096xf32, #tpu.memory_space<hbm>> -> memref<4096xf32, #tpu.memory_space<hbm>>
      %dma_wait3A_283 = arith.constant 0 : i32
      %dma_wait3A_284 = tpu.memref_slice %arg4[%select_n3A_216, %select_n3A_232, %dma_wait3A_283] : memref<26x16x16384xf32, #tpu.memory_space<hbm>> -> memref<1x1x4096xf32, #tpu.memory_space<hbm>>
      %dma_wait3A_285 = tpu.memref_squeeze %dma_wait3A_284 : memref<1x1x4096xf32, #tpu.memory_space<hbm>> -> memref<4096xf32, #tpu.memory_space<hbm>>
      %dma_wait3A_286 = arith.constant 0 : i32
      %dma_wait3A_287 = tpu.memref_slice %arg7[%dma_wait3A_276, %dma_wait3A_286] : memref<2x4096xf32, #tpu.memory_space<vmem>> -> memref<1x4096xf32, #tpu.memory_space<vmem>>
      %dma_wait3A_288 = tpu.memref_squeeze %dma_wait3A_287 : memref<1x4096xf32, #tpu.memory_space<vmem>> -> memref<4096xf32, #tpu.memory_space<vmem>>
      tpu.wait_dma2 semaphore(%arg10 : memref<!tpu.dma_semaphore, #tpu.memory_space<semaphore_mem>>) src(%dma_wait3A_288 : memref<4096xf32, #tpu.memory_space<vmem>>) dst(%dma_wait3A_285 : memref<4096xf32, #tpu.memory_space<hbm>>)
      %parallel_loop3A_289 = arith.constant 0 : i32
      %parallel_loop3A_290 = arith.constant 256 : i32
      %parallel_loop3A_291 = arith.constant 1 : i32
      scf.for %parallel_loop3A_363 = %parallel_loop3A_289 to %parallel_loop3A_290 step %parallel_loop3A_291  : i32 {
        %parallel_loop3A_364 = arith.constant 16 : i32
        %parallel_loop3A_365 = arith.muli %parallel_loop3A_363, %parallel_loop3A_364 : i32
        %parallel_loop3A_366 = arith.constant 4096 : i32
        %parallel_loop3A_367 = arith.addi %parallel_loop3A_366, %parallel_loop3A_365 : i32
        %parallel_loop3A_368 = arith.index_cast %parallel_loop3A_367 : i32 to index
        %parallel_loop3A_369 = tpu.vector_load %arg6[%parallel_loop3A_368] {strides = array<i32>} : memref<16384xi32, #tpu.memory_space<vmem>>, vector<16xi32>,
        %parallel_loop3A_370 = tpu.vector_load_idx %arg5[%parallel_loop3A_369] : memref<100000xf32, #tpu.memory_space<vmem>>[vector<16xi32>], vector<16xf32>,
        %parallel_loop3A_371 = arith.constant 16 : i32
        %parallel_loop3A_372 = arith.muli %parallel_loop3A_363, %parallel_loop3A_371 : i32
        %parallel_loop3A_373 = arith.constant 1 : i32
        %parallel_loop3A_374 = arith.index_cast %parallel_loop3A_373 : i32 to index
        %parallel_loop3A_375 = arith.index_cast %parallel_loop3A_372 : i32 to index
        %parallel_loop3A_376 = tpu.vector_load %arg7[%parallel_loop3A_374, %parallel_loop3A_375] {strides = array<i32>} : memref<2x4096xf32, #tpu.memory_space<vmem>>, vector<16xf32>,
        tpu.vector_store %arg7[%parallel_loop3A_374, %parallel_loop3A_375], %parallel_loop3A_370 {strides = array<i32>} : memref<2x4096xf32, #tpu.memory_space<vmem>>, vector<16xf32>,
      } {sc.loop_unroll_factor = 8 : i64, sc.parallel_access}
      %dma_start3A_292 = arith.constant 1 : i32
      %dma_start3A_293 = arith.constant 0 : i32
      %dma_start3A_294 = tpu.memref_slice %arg7[%dma_start3A_292, %dma_start3A_293] : memref<2x4096xf32, #tpu.memory_space<vmem>> -> memref<1x4096xf32, #tpu.memory_space<vmem>>
      %dma_start3A_295 = tpu.memref_squeeze %dma_start3A_294 : memref<1x4096xf32, #tpu.memory_space<vmem>> -> memref<4096xf32, #tpu.memory_space<vmem>>
      %dma_start3A_296 = arith.constant 4096 : i32
      %dma_start3A_297 = tpu.memref_slice %arg4[%select_n3A_216, %select_n3A_232, %dma_start3A_296] : memref<26x16x16384xf32, #tpu.memory_space<hbm>> -> memref<1x1x4096xf32, #tpu.memory_space<hbm>>
      %dma_start3A_298 = tpu.memref_squeeze %dma_start3A_297 : memref<1x1x4096xf32, #tpu.memory_space<hbm>> -> memref<4096xf32, #tpu.memory_space<hbm>>
      %dma_start3A_299 = arith.constant 4096 : i32
      %dma_start3A_300 = tpu.memref_slice %arg4[%select_n3A_216, %select_n3A_232, %dma_start3A_299] : memref<26x16x16384xf32, #tpu.memory_space<hbm>> -> memref<1x1x4096xf32, #tpu.memory_space<hbm>>
      %dma_start3A_301 = tpu.memref_squeeze %dma_start3A_300 : memref<1x1x4096xf32, #tpu.memory_space<hbm>> -> memref<4096xf32, #tpu.memory_space<hbm>>
      %dma_start3A_302 = arith.constant 0 : i32
      %dma_start3A_303 = tpu.memref_slice %arg7[%dma_start3A_292, %dma_start3A_302] : memref<2x4096xf32, #tpu.memory_space<vmem>> -> memref<1x4096xf32, #tpu.memory_space<vmem>>
      %dma_start3A_304 = tpu.memref_squeeze %dma_start3A_303 : memref<1x4096xf32, #tpu.memory_space<vmem>> -> memref<4096xf32, #tpu.memory_space<vmem>>
      tpu.enqueue_dma source(%dma_start3A_304 : memref<4096xf32, #tpu.memory_space<vmem>>) target(%dma_start3A_301 : memref<4096xf32, #tpu.memory_space<hbm>>) target_semaphore(%arg10 : memref<!tpu.dma_semaphore, #tpu.memory_space<semaphore_mem>>)
      %dma_wait3A_305 = arith.constant 0 : i32
      %dma_wait3A_306 = arith.constant 0 : i32
      %dma_wait3A_307 = tpu.memref_slice %arg7[%dma_wait3A_305, %dma_wait3A_306] : memref<2x4096xf32, #tpu.memory_space<vmem>> -> memref<1x4096xf32, #tpu.memory_space<vmem>>
      %dma_wait3A_308 = tpu.memref_squeeze %dma_wait3A_307 : memref<1x4096xf32, #tpu.memory_space<vmem>> -> memref<4096xf32, #tpu.memory_space<vmem>>
      %dma_wait3A_309 = arith.constant 0 : i32
      %dma_wait3A_310 = tpu.memref_slice %arg4[%select_n3A_216, %select_n3A_232, %dma_wait3A_309] : memref<26x16x16384xf32, #tpu.memory_space<hbm>> -> memref<1x1x4096xf32, #tpu.memory_space<hbm>>
      %dma_wait3A_311 = tpu.memref_squeeze %dma_wait3A_310 : memref<1x1x4096xf32, #tpu.memory_space<hbm>> -> memref<4096xf32, #tpu.memory_space<hbm>>
      %dma_wait3A_312 = arith.constant 0 : i32
      %dma_wait3A_313 = tpu.memref_slice %arg4[%select_n3A_216, %select_n3A_232, %dma_wait3A_312] : memref<26x16x16384xf32, #tpu.memory_space<hbm>> -> memref<1x1x4096xf32, #tpu.memory_space<hbm>>
      %dma_wait3A_314 = tpu.memref_squeeze %dma_wait3A_313 : memref<1x1x4096xf32, #tpu.memory_space<hbm>> -> memref<4096xf32, #tpu.memory_space<hbm>>
      %dma_wait3A_315 = arith.constant 0 : i32
      %dma_wait3A_316 = tpu.memref_slice %arg7[%dma_wait3A_305, %dma_wait3A_315] : memref<2x4096xf32, #tpu.memory_space<vmem>> -> memref<1x4096xf32, #tpu.memory_space<vmem>>
      %dma_wait3A_317 = tpu.memref_squeeze %dma_wait3A_316 : memref<1x4096xf32, #tpu.memory_space<vmem>> -> memref<4096xf32, #tpu.memory_space<vmem>>
      tpu.wait_dma2 semaphore(%arg9 : memref<!tpu.dma_semaphore, #tpu.memory_space<semaphore_mem>>) src(%dma_wait3A_317 : memref<4096xf32, #tpu.memory_space<vmem>>) dst(%dma_wait3A_314 : memref<4096xf32, #tpu.memory_space<hbm>>)
      %parallel_loop3A_318 = arith.constant 0 : i32
      %parallel_loop3A_319 = arith.constant 256 : i32
      %parallel_loop3A_320 = arith.constant 1 : i32
      scf.for %parallel_loop3A_363 = %parallel_loop3A_318 to %parallel_loop3A_319 step %parallel_loop3A_320  : i32 {
        %parallel_loop3A_364 = arith.constant 16 : i32
        %parallel_loop3A_365 = arith.muli %parallel_loop3A_363, %parallel_loop3A_364 : i32
        %parallel_loop3A_366 = arith.constant 8192 : i32
        %parallel_loop3A_367 = arith.addi %parallel_loop3A_366, %parallel_loop3A_365 : i32
        %parallel_loop3A_368 = arith.index_cast %parallel_loop3A_367 : i32 to index
        %parallel_loop3A_369 = tpu.vector_load %arg6[%parallel_loop3A_368] {strides = array<i32>} : memref<16384xi32, #tpu.memory_space<vmem>>, vector<16xi32>,
        %parallel_loop3A_370 = tpu.vector_load_idx %arg5[%parallel_loop3A_369] : memref<100000xf32, #tpu.memory_space<vmem>>[vector<16xi32>], vector<16xf32>,
        %parallel_loop3A_371 = arith.constant 16 : i32
        %parallel_loop3A_372 = arith.muli %parallel_loop3A_363, %parallel_loop3A_371 : i32
        %parallel_loop3A_373 = arith.constant 0 : i32
        %parallel_loop3A_374 = arith.index_cast %parallel_loop3A_373 : i32 to index
        %parallel_loop3A_375 = arith.index_cast %parallel_loop3A_372 : i32 to index
        %parallel_loop3A_376 = tpu.vector_load %arg7[%parallel_loop3A_374, %parallel_loop3A_375] {strides = array<i32>} : memref<2x4096xf32, #tpu.memory_space<vmem>>, vector<16xf32>,
        tpu.vector_store %arg7[%parallel_loop3A_374, %parallel_loop3A_375], %parallel_loop3A_370 {strides = array<i32>} : memref<2x4096xf32, #tpu.memory_space<vmem>>, vector<16xf32>,
      } {sc.loop_unroll_factor = 8 : i64, sc.parallel_access}
      %dma_start3A_321 = arith.constant 0 : i32
      %dma_start3A_322 = arith.constant 0 : i32
      %dma_start3A_323 = tpu.memref_slice %arg7[%dma_start3A_321, %dma_start3A_322] : memref<2x4096xf32, #tpu.memory_space<vmem>> -> memref<1x4096xf32, #tpu.memory_space<vmem>>
      %dma_start3A_324 = tpu.memref_squeeze %dma_start3A_323 : memref<1x4096xf32, #tpu.memory_space<vmem>> -> memref<4096xf32, #tpu.memory_space<vmem>>
      %dma_start3A_325 = arith.constant 8192 : i32
      %dma_start3A_326 = tpu.memref_slice %arg4[%select_n3A_216, %select_n3A_232, %dma_start3A_325] : memref<26x16x16384xf32, #tpu.memory_space<hbm>> -> memref<1x1x4096xf32, #tpu.memory_space<hbm>>
      %dma_start3A_327 = tpu.memref_squeeze %dma_start3A_326 : memref<1x1x4096xf32, #tpu.memory_space<hbm>> -> memref<4096xf32, #tpu.memory_space<hbm>>
      %dma_start3A_328 = arith.constant 8192 : i32
      %dma_start3A_329 = tpu.memref_slice %arg4[%select_n3A_216, %select_n3A_232, %dma_start3A_328] : memref<26x16x16384xf32, #tpu.memory_space<hbm>> -> memref<1x1x4096xf32, #tpu.memory_space<hbm>>
      %dma_start3A_330 = tpu.memref_squeeze %dma_start3A_329 : memref<1x1x4096xf32, #tpu.memory_space<hbm>> -> memref<4096xf32, #tpu.memory_space<hbm>>
      %dma_start3A_331 = arith.constant 0 : i32
      %dma_start3A_332 = tpu.memref_slice %arg7[%dma_start3A_321, %dma_start3A_331] : memref<2x4096xf32, #tpu.memory_space<vmem>> -> memref<1x4096xf32, #tpu.memory_space<vmem>>
      %dma_start3A_333 = tpu.memref_squeeze %dma_start3A_332 : memref<1x4096xf32, #tpu.memory_space<vmem>> -> memref<4096xf32, #tpu.memory_space<vmem>>
      tpu.enqueue_dma source(%dma_start3A_333 : memref<4096xf32, #tpu.memory_space<vmem>>) target(%dma_start3A_330 : memref<4096xf32, #tpu.memory_space<hbm>>) target_semaphore(%arg9 : memref<!tpu.dma_semaphore, #tpu.memory_space<semaphore_mem>>)
      %dma_wait3A_334 = arith.constant 1 : i32
      %dma_wait3A_335 = arith.constant 0 : i32
      %dma_wait3A_336 = tpu.memref_slice %arg7[%dma_wait3A_334, %dma_wait3A_335] : memref<2x4096xf32, #tpu.memory_space<vmem>> -> memref<1x4096xf32, #tpu.memory_space<vmem>>
      %dma_wait3A_337 = tpu.memref_squeeze %dma_wait3A_336 : memref<1x4096xf32, #tpu.memory_space<vmem>> -> memref<4096xf32, #tpu.memory_space<vmem>>
      %dma_wait3A_338 = arith.constant 0 : i32
      %dma_wait3A_339 = tpu.memref_slice %arg4[%select_n3A_216, %select_n3A_232, %dma_wait3A_338] : memref<26x16x16384xf32, #tpu.memory_space<hbm>> -> memref<1x1x4096xf32, #tpu.memory_space<hbm>>
      %dma_wait3A_340 = tpu.memref_squeeze %dma_wait3A_339 : memref<1x1x4096xf32, #tpu.memory_space<hbm>> -> memref<4096xf32, #tpu.memory_space<hbm>>
      %dma_wait3A_341 = arith.constant 0 : i32
      %dma_wait3A_342 = tpu.memref_slice %arg4[%select_n3A_216, %select_n3A_232, %dma_wait3A_341] : memref<26x16x16384xf32, #tpu.memory_space<hbm>> -> memref<1x1x4096xf32, #tpu.memory_space<hbm>>
      %dma_wait3A_343 = tpu.memref_squeeze %dma_wait3A_342 : memref<1x1x4096xf32, #tpu.memory_space<hbm>> -> memref<4096xf32, #tpu.memory_space<hbm>>
      %dma_wait3A_344 = arith.constant 0 : i32
      %dma_wait3A_345 = tpu.memref_slice %arg7[%dma_wait3A_334, %dma_wait3A_344] : memref<2x4096xf32, #tpu.memory_space<vmem>> -> memref<1x4096xf32, #tpu.memory_space<vmem>>
      %dma_wait3A_346 = tpu.memref_squeeze %dma_wait3A_345 : memref<1x4096xf32, #tpu.memory_space<vmem>> -> memref<4096xf32, #tpu.memory_space<vmem>>
      tpu.wait_dma2 semaphore(%arg10 : memref<!tpu.dma_semaphore, #tpu.memory_space<semaphore_mem>>) src(%dma_wait3A_346 : memref<4096xf32, #tpu.memory_space<vmem>>) dst(%dma_wait3A_343 : memref<4096xf32, #tpu.memory_space<hbm>>)
      %parallel_loop3A_347 = arith.constant 0 : i32
      %parallel_loop3A_348 = arith.constant 256 : i32
      %parallel_loop3A_349 = arith.constant 1 : i32
      scf.for %parallel_loop3A_363 = %parallel_loop3A_347 to %parallel_loop3A_348 step %parallel_loop3A_349  : i32 {
        %parallel_loop3A_364 = arith.constant 16 : i32
        %parallel_loop3A_365 = arith.muli %parallel_loop3A_363, %parallel_loop3A_364 : i32
        %parallel_loop3A_366 = arith.constant 12288 : i32
        %parallel_loop3A_367 = arith.addi %parallel_loop3A_366, %parallel_loop3A_365 : i32
        %parallel_loop3A_368 = arith.index_cast %parallel_loop3A_367 : i32 to index
        %parallel_loop3A_369 = tpu.vector_load %arg6[%parallel_loop3A_368] {strides = array<i32>} : memref<16384xi32, #tpu.memory_space<vmem>>, vector<16xi32>,
        %parallel_loop3A_370 = tpu.vector_load_idx %arg5[%parallel_loop3A_369] : memref<100000xf32, #tpu.memory_space<vmem>>[vector<16xi32>], vector<16xf32>,
        %parallel_loop3A_371 = arith.constant 16 : i32
        %parallel_loop3A_372 = arith.muli %parallel_loop3A_363, %parallel_loop3A_371 : i32
        %parallel_loop3A_373 = arith.constant 1 : i32
        %parallel_loop3A_374 = arith.index_cast %parallel_loop3A_373 : i32 to index
        %parallel_loop3A_375 = arith.index_cast %parallel_loop3A_372 : i32 to index
        %parallel_loop3A_376 = tpu.vector_load %arg7[%parallel_loop3A_374, %parallel_loop3A_375] {strides = array<i32>} : memref<2x4096xf32, #tpu.memory_space<vmem>>, vector<16xf32>,
        tpu.vector_store %arg7[%parallel_loop3A_374, %parallel_loop3A_375], %parallel_loop3A_370 {strides = array<i32>} : memref<2x4096xf32, #tpu.memory_space<vmem>>, vector<16xf32>,
      } {sc.loop_unroll_factor = 8 : i64, sc.parallel_access}
      %dma_start3A_350 = arith.constant 1 : i32
      %dma_start3A_351 = arith.constant 0 : i32
      %dma_start3A_352 = tpu.memref_slice %arg7[%dma_start3A_350, %dma_start3A_351] : memref<2x4096xf32, #tpu.memory_space<vmem>> -> memref<1x4096xf32, #tpu.memory_space<vmem>>
      %dma_start3A_353 = tpu.memref_squeeze %dma_start3A_352 : memref<1x4096xf32, #tpu.memory_space<vmem>> -> memref<4096xf32, #tpu.memory_space<vmem>>
      %dma_start3A_354 = arith.constant 12288 : i32
      %dma_start3A_355 = tpu.memref_slice %arg4[%select_n3A_216, %select_n3A_232, %dma_start3A_354] : memref<26x16x16384xf32, #tpu.memory_space<hbm>> -> memref<1x1x4096xf32, #tpu.memory_space<hbm>>
      %dma_start3A_356 = tpu.memref_squeeze %dma_start3A_355 : memref<1x1x4096xf32, #tpu.memory_space<hbm>> -> memref<4096xf32, #tpu.memory_space<hbm>>
      %dma_start3A_357 = arith.constant 12288 : i32
      %dma_start3A_358 = tpu.memref_slice %arg4[%select_n3A_216, %select_n3A_232, %dma_start3A_357] : memref<26x16x16384xf32, #tpu.memory_space<hbm>> -> memref<1x1x4096xf32, #tpu.memory_space<hbm>>
      %dma_start3A_359 = tpu.memref_squeeze %dma_start3A_358 : memref<1x1x4096xf32, #tpu.memory_space<hbm>> -> memref<4096xf32, #tpu.memory_space<hbm>>
      %dma_start3A_360 = arith.constant 0 : i32
      %dma_start3A_361 = tpu.memref_slice %arg7[%dma_start3A_350, %dma_start3A_360] : memref<2x4096xf32, #tpu.memory_space<vmem>> -> memref<1x4096xf32, #tpu.memory_space<vmem>>
      %dma_start3A_362 = tpu.memref_squeeze %dma_start3A_361 : memref<1x4096xf32, #tpu.memory_space<vmem>> -> memref<4096xf32, #tpu.memory_space<vmem>>
      tpu.enqueue_dma source(%dma_start3A_362 : memref<4096xf32, #tpu.memory_space<vmem>>) target(%dma_start3A_359 : memref<4096xf32, #tpu.memory_space<hbm>>) target_semaphore(%arg10 : memref<!tpu.dma_semaphore, #tpu.memory_space<semaphore_mem>>)
      scf.yield %select_n3A_216 : i32
    }
    %add3A_145 = arith.constant 13 : i32
    %add3A_146 = arith.addi %mul3A_2, %add3A_145 : i32
    %sub3A_147 = arith.constant 1 : i32
    %sub3A_148 = arith.subi %add3A_146, %sub3A_147 : i32
    %jit3A_149 = arith.constant 16 : i32
    %eq3A_150 = arith.constant 0 : i32
    %eq3A_151 = arith.cmpi eq, %jit3A_149, %eq3A_150 : i32
    %jit3A_152 = arith.constant 1 : i32
    %select_n3A_153 = arith.select %eq3A_151, %jit3A_152, %jit3A_149 : i32
    %rem3A_154 = arith.remsi %sub3A_148, %select_n3A_153 : i32
    %ne3A_155 = arith.constant 0 : i32
    %ne3A_156 = arith.cmpi ne, %rem3A_154, %ne3A_155 : i32
    %lt3A_157 = arith.constant 0 : i32
    %lt3A_158 = arith.cmpi slt, %rem3A_154, %lt3A_157 : i32
    %lt3A_159 = arith.constant 0 : i32
    %lt3A_160 = arith.cmpi slt, %select_n3A_153, %lt3A_159 : i32
    %ne3A_161 = arith.xori %lt3A_158, %lt3A_160 : i1
    %and3A_162 = arith.andi %ne3A_161, %ne3A_156 : i1
    %add3A_163 = arith.addi %rem3A_154, %select_n3A_153 : i32
    %select_n3A_164 = arith.select %and3A_162, %add3A_163, %rem3A_154 : i32
    %dma_wait3A_165 = arith.constant 0 : i32
    %dma_wait3A_166 = arith.constant 0 : i32
    %dma_wait3A_167 = tpu.memref_slice %arg7[%dma_wait3A_165, %dma_wait3A_166] : memref<2x4096xf32, #tpu.memory_space<vmem>> -> memref<1x4096xf32, #tpu.memory_space<vmem>>
    %dma_wait3A_168 = tpu.memref_squeeze %dma_wait3A_167 : memref<1x4096xf32, #tpu.memory_space<vmem>> -> memref<4096xf32, #tpu.memory_space<vmem>>
    %dma_wait3A_169 = arith.constant 0 : i32
    %dma_wait3A_170 = tpu.memref_slice %arg4[%while3A_144, %select_n3A_164, %dma_wait3A_169] : memref<26x16x16384xf32, #tpu.memory_space<hbm>> -> memref<1x1x4096xf32, #tpu.memory_space<hbm>>
    %dma_wait3A_171 = tpu.memref_squeeze %dma_wait3A_170 : memref<1x1x4096xf32, #tpu.memory_space<hbm>> -> memref<4096xf32, #tpu.memory_space<hbm>>
    %dma_wait3A_172 = arith.constant 0 : i32
    %dma_wait3A_173 = tpu.memref_slice %arg4[%while3A_144, %select_n3A_164, %dma_wait3A_172] : memref<26x16x16384xf32, #tpu.memory_space<hbm>> -> memref<1x1x4096xf32, #tpu.memory_space<hbm>>
    %dma_wait3A_174 = tpu.memref_squeeze %dma_wait3A_173 : memref<1x1x4096xf32, #tpu.memory_space<hbm>> -> memref<4096xf32, #tpu.memory_space<hbm>>
    %dma_wait3A_175 = arith.constant 0 : i32
    %dma_wait3A_176 = tpu.memref_slice %arg7[%dma_wait3A_165, %dma_wait3A_175] : memref<2x4096xf32, #tpu.memory_space<vmem>> -> memref<1x4096xf32, #tpu.memory_space<vmem>>
    %dma_wait3A_177 = tpu.memref_squeeze %dma_wait3A_176 : memref<1x4096xf32, #tpu.memory_space<vmem>> -> memref<4096xf32, #tpu.memory_space<vmem>>
    tpu.wait_dma2 semaphore(%arg9 : memref<!tpu.dma_semaphore, #tpu.memory_space<semaphore_mem>>) src(%dma_wait3A_177 : memref<4096xf32, #tpu.memory_space<vmem>>) dst(%dma_wait3A_174 : memref<4096xf32, #tpu.memory_space<hbm>>)
    %dma_wait3A_178 = arith.constant 1 : i32
    %dma_wait3A_179 = arith.constant 0 : i32
    %dma_wait3A_180 = tpu.memref_slice %arg7[%dma_wait3A_178, %dma_wait3A_179] : memref<2x4096xf32, #tpu.memory_space<vmem>> -> memref<1x4096xf32, #tpu.memory_space<vmem>>
    %dma_wait3A_181 = tpu.memref_squeeze %dma_wait3A_180 : memref<1x4096xf32, #tpu.memory_space<vmem>> -> memref<4096xf32, #tpu.memory_space<vmem>>
    %dma_wait3A_182 = arith.constant 0 : i32
    %dma_wait3A_183 = tpu.memref_slice %arg4[%while3A_144, %select_n3A_164, %dma_wait3A_182] : memref<26x16x16384xf32, #tpu.memory_space<hbm>> -> memref<1x1x4096xf32, #tpu.memory_space<hbm>>
    %dma_wait3A_184 = tpu.memref_squeeze %dma_wait3A_183 : memref<1x1x4096xf32, #tpu.memory_space<hbm>> -> memref<4096xf32, #tpu.memory_space<hbm>>
    %dma_wait3A_185 = arith.constant 0 : i32
    %dma_wait3A_186 = tpu.memref_slice %arg4[%while3A_144, %select_n3A_164, %dma_wait3A_185] : memref<26x16x16384xf32, #tpu.memory_space<hbm>> -> memref<1x1x4096xf32, #tpu.memory_space<hbm>>
    %dma_wait3A_187 = tpu.memref_squeeze %dma_wait3A_186 : memref<1x1x4096xf32, #tpu.memory_space<hbm>> -> memref<4096xf32, #tpu.memory_space<hbm>>
    %dma_wait3A_188 = arith.constant 0 : i32
    %dma_wait3A_189 = tpu.memref_slice %arg7[%dma_wait3A_178, %dma_wait3A_188] : memref<2x4096xf32, #tpu.memory_space<vmem>> -> memref<1x4096xf32, #tpu.memory_space<vmem>>
    %dma_wait3A_190 = tpu.memref_squeeze %dma_wait3A_189 : memref<1x4096xf32, #tpu.memory_space<vmem>> -> memref<4096xf32, #tpu.memory_space<vmem>>
    tpu.wait_dma2 semaphore(%arg10 : memref<!tpu.dma_semaphore, #tpu.memory_space<semaphore_mem>>) src(%dma_wait3A_190 : memref<4096xf32, #tpu.memory_space<vmem>>) dst(%dma_wait3A_187 : memref<4096xf32, #tpu.memory_space<hbm>>)
    return
  }
}

</mosaic_0001>

<sc_bundles>
// kernel: kernel.3.cloned.1.call-start
scs
__scs_entry_jumppad:
0x0: {  	(pc) =	sbr.rel $0x88, $3  }
0x1: {  	(tag) =	ssettag $0x0;
	lr =	simm.s32 $0x1  }
0x2: {  	[smem:$0x3F9F] =	sst lr;
	_ =	strace $0xD0000000  }
0x3: {  	_ = 	snop  }
0x4: {  	_ = 	snop  }
0x5: {  	_ = 	snop  }
0x6: {  	_ = 	snop  }
0x7: {  	_ = 	snop  }
__scs_overlays_trampoline_lowered:
0x8: {  	[smem:$0x3FAE] =	sst s0  }
0x9: {  	[smem:$0x3FAF] =	sst s1  }
0xa: {  	[smem:$0x3FB0] =	sst s2  }
0xb: {  	[smem:$0x3FB1] =	sst s3  }
0xc: {  	[smem:$0x3FB2] =	sst s4  }
0xd: {  	[smem:$0x3FB3] =	sst s5  }
0xe: {  	[smem:$0x3FB4] =	sst s6  }
0xf: {  	[smem:$0x3FB5] =	sst s7  }
0x10: {  	[smem:$0x3FB6] =	sst s8  }
0x11: {  	[smem:$0x3FB7] =	sst s9;
	s0 =	simm.s32 @!p0 $0x0  }
0x12: {  	s1 =	sld [smem:$0x3F9D];
	s0 =	simm.s32 @p0 $0x1  }
0x13: {  	[smem:$0x3FB8] =	sst s0;
	s0 =	simm.s32 @!p1 $0x0  }
0x14: {  	s2 =	sld [smem:$0x3F9C];
	s0 =	simm.s32 @p1 $0x1  }
0x15: {  	[smem:$0x3FB9] =	sst s0;
	s0 =	simm.s32 @!p2 $0x0  }
0x16: {  	s3 =	sld [smem:$0x3FDB];
	s0 =	simm.s32 @p2 $0x1  }
0x17: {  	s4 =	simm.s32 $0x1BF5;
	[smem:$0x3FBB] =	sst s0  }
0x18: {  	s0 =	sld [smem:$0x3F9E];
	_ =	swait.ge [sflag:s4], $0x0  }
0x19: {  	s7 =	sld [smem:$0x3F9F]  }
0x1a: {  	s8 =	sadd.s32 $0xFFFFE003, lr  }
0x1b: {  	s9 =	sadd.s32 $0xFFFFFEF7, lr;
	s5 =	simm.s32 $0xFFFFFFFF;
	p2 =	slt.u32 s8, $0xFFFFF086  }
0x1c: {  	p1 =	slt.u32 s9, $0xF7A;
	s5 =	simm.s32 @!p2 $0x0  }
0x1d: {  	s5 =	simm.s32 @p1 $0x1;
	p0 =	seq.s32 s7, s2  }
0x1e: {  	s7 =	smul.u32 @!p0 $0xF7A, s2;
	p2 =	seq.s32 @!p0 s5, $0x0  }
0x1f: {  	s9 =	smul.u32 $0xF7A, s1;
	s8 =	simm.s32 @!p0 $0x1BF5;
	p2 =	por !p2, p0  }
0x20: {  	[sflag:s8] =	ssyncset.s32 @!p0 $0xFFFFF086;
	s6 =	sadd.s32 @!p0 s3, s7;
	s7 =	simm.s32 @!p0 $0x108  }
0x21: {  	s3 =	sadd.s32 s3, s9;
	s6 =	sadd.s32 @!p0 $0x88, s6;
	s7 =	simm.s32 @p2 $0x1082  }
0x22: {  	[simem:s7], [sflag:s8] =	dma.local @!p0 [hbm:s6], $0xF7A  }
0x23: {  	s9 =	sor.u32 $0xD0000000, s2;
	s6 =	simm.s32 $0x108;
	_ =	swait.ge @!p0 [sflag:s8], $0x0  }
0x24: {  	s3 =	sadd.s32 $0x88, s3;
	s6 =	simm.s32 @!p1 $0x1082;
	[sflag:s4] =	ssyncset.s32 $0xFFFFF086  }
0x25: {  	[simem:s6], [sflag:s4] =	dma.local [hbm:s3], $0xF7A  }
0x26: {  	[smem:$0x3F9F] =	sst s1;
	(tag) =	ssettag s2;
	_ =	strace s9  }
0x27: {  	s1 =	sld [smem:$0x3FAF]  }
0x28: {  	s2 =	sld [smem:$0x3FB0]  }
0x29: {  	s4 =	sld [smem:$0x3FB2]  }
0x2a: {  	p0 =	seq.s32 s5, $0x0;
	s5 =	sld [smem:$0x3FB3]  }
0x2b: {  	s6 =	sld [smem:$0x3FB4]  }
0x2c: {  	s7 =	sld [smem:$0x3FB5]  }
0x2d: {  	s3 =	simm.s32 $0x108;
	s8 =	sld [smem:$0x3FB6]  }
0x2e: {  	s3 =	simm.s32 @!p0 $0x1082;
	s9 =	sld [smem:$0x3FB7]  }
0x2f: {  	lr =	sadd.s32 s0, s3;
	s0 =	sld [smem:$0x3FAE]  }
0x30: {  	s3 =	sld [smem:$0x3FB1]  }
0x31: {  	[smem:$0x3FBA] =	sst s10  }
0x32: {  	s10 =	sld [smem:$0x3FB8];
	_ =	sdelay $0x3  }
0x33: {  	p0 =	seq.s32 s10, $0x1;
	s10 =	sld [smem:$0x3FBA];
	_ =	sdelay $0x3  }
0x34: {  	[smem:$0x3FBA] =	sst s10  }
0x35: {  	s10 =	sld [smem:$0x3FB9];
	_ =	sdelay $0x3  }
0x36: {  	p1 =	seq.s32 s10, $0x1;
	s10 =	sld [smem:$0x3FBA];
	_ =	sdelay $0x3  }
0x37: {  	[smem:$0x3FBA] =	sst s10  }
0x38: {  	s10 =	sld [smem:$0x3FBB]  }
0x39: {  	_ = 	snop;
	(pc) =	sbr.ind lr, $3  }
0x3a: {  	_ = 	snop  }
0x3b: {  	_ = 	snop  }
0x3c: {  	p2 =	seq.s32 s10, $0x1;
	s10 =	sld [smem:$0x3FBA]  }
0x3d: {  	_ =	shalt  }
0x3e: {  	_ =	shalt  }
0x3f: {  	_ =	shalt  }
0x40: {  	_ =	shalt  }
0x41: {  	_ =	shalt  }
0x42: {  	_ =	shalt  }
0x43: {  	_ =	shalt  }
0x44: {  	_ =	shalt  }
0x45: {  	_ =	shalt  }
0x46: {  	_ =	shalt  }
0x47: {  	_ =	shalt  }
0x48: {  	_ =	shalt  }
0x49: {  	_ =	shalt  }
0x4a: {  	_ =	shalt  }
0x4b: {  	_ =	shalt  }
0x4c: {  	_ =	shalt  }
0x4d: {  	_ =	shalt  }
0x4e: {  	_ =	shalt  }
0x4f: {  	_ =	shalt  }
0x50: {  	_ =	shalt  }
0x51: {  	_ =	shalt  }
0x52: {  	_ =	shalt  }
0x53: {  	_ =	shalt  }
0x54: {  	_ =	shalt  }
0x55: {  	_ =	shalt  }
0x56: {  	_ =	shalt  }
0x57: {  	_ =	shalt  }
0x58: {  	_ =	shalt  }
0x59: {  	_ =	shalt  }
0x5a: {  	_ =	shalt  }
0x5b: {  	_ =	shalt  }
0x5c: {  	_ =	shalt  }
0x5d: {  	_ =	shalt  }
0x5e: {  	_ =	shalt  }
0x5f: {  	_ =	shalt  }
0x60: {  	_ =	shalt  }
0x61: {  	_ =	shalt  }
0x62: {  	_ =	shalt  }
0x63: {  	_ =	shalt  }
0x64: {  	_ =	shalt  }
0x65: {  	_ =	shalt  }
0x66: {  	_ =	shalt  }
0x67: {  	_ =	shalt  }
0x68: {  	_ =	shalt  }
0x69: {  	_ =	shalt  }
0x6a: {  	_ =	shalt  }
0x6b: {  	_ =	shalt  }
0x6c: {  	_ =	shalt  }
0x6d: {  	_ =	shalt  }
0x6e: {  	_ =	shalt  }
0x6f: {  	_ =	shalt  }
0x70: {  	_ =	shalt  }
0x71: {  	_ =	shalt  }
0x72: {  	_ =	shalt  }
0x73: {  	_ =	shalt  }
0x74: {  	_ =	shalt  }
0x75: {  	_ =	shalt  }
0x76: {  	_ =	shalt  }
0x77: {  	_ =	shalt  }
0x78: {  	_ =	shalt  }
0x79: {  	_ =	shalt  }
0x7a: {  	_ =	shalt  }
0x7b: {  	_ =	shalt  }
0x7c: {  	_ =	shalt  }
0x7d: {  	_ =	shalt  }
0x7e: {  	_ =	shalt  }
0x7f: {  	_ =	shalt  }
0x80: {  	_ =	shalt  }
0x81: {  	_ =	shalt  }
0x82: {  	_ =	shalt  }
0x83: {  	_ =	shalt  }
0x84: {  	_ =	shalt  }
0x85: {  	_ =	shalt  }
0x86: {  	_ =	shalt  }
0x87: {  	_ =	shalt  }
.Lfunc_end0:
.L_simem_size_0:
called_computation_lowered:
.L_overlay_start_0:
0x88: {  	s2 =	sld [smem:$0x3FD9]  }
0x89: {  	s3 =	sld [smem:$0x3FFE];
	_ =	sdelay $0x1  }
0x8a: {  	s1 =	srdreg.scid  }
0x8b: {  	s0 =	sand.u32 $0x1, s1  }
0x8c: {  	s18 =	sshll.u32 s0, $0xA;
	s2 =	sadd.s32 s3, s2  }
0x8d: {  	s2 =	sadd.s32 s2, s18  }
0x8e: {  	[smem:$0x3FC6] =	sst s2  }
0x8f: {  	_ = 	snop  }
0x90: {  	s2 =	sld [smem:$0x3FC9]  }
0x91: {  	s19 =	sld [smem:$0x3FC8]  }
0x92: {  	s4 =	sld [smem:$0x3FD0];
	(tm) =	ssettm $0x1  }
0x93: {  	s5 =	sld [smem:$0x3FFB];
	_ =	sdelay $0x3  }
0x94: {  	_ =	strace s5  }
0x95: {  	s5 =	sld [smem:$0x3FFC];
	_ =	sdelay $0x3  }
0x96: {  	_ =	strace s5  }
0x97: {  	s5 =	sld [smem:$0x3FFD];
	_ =	sdelay $0x3  }
0x98: {  	_ =	strace s5  }
0x99: {  	_ =	strace $0x8FFFFFFF  }
0x9a: {  	s20 =	sld [smem:$0x3FDB];
	_ =	sdelay $0x1  }
0x9b: {  	s6 =	simm.s32 $_scs_section_size  }
0x9c: {  	s7 =	simm.s32 $_size__tile_overlayer_lowered;
	s8 =	simm.s32 $_tile_overlayer_lowered  }
0x9d: {  	s23 =	simm.s32 $0x1BFF;
	s22 =	sshll.u32 s8, $0x1;
	s5 =	sadd.s32 s6, s20  }
0x9e: {  	s9 =	simm.s32 $0x0;
	s21 =	sshll.u32 s7, $0x1;
	s7 =	sadd.s32 s22, s5  }
0x9f: {  	[timem:s9], [sflag:s23] =	dma.local [hbm:s7], s21  }
0xa0: {  	_ =	swait.ge [sflag:s23], s21  }
0xa1: {  	s6 =	ssub.s32 $0x0, s21;
	[sflag:s23] =	ssyncset.done $0x0  }
0xa2: {  	[sflag:s23] =	ssyncadd.s32 s6;
	_ =	sdelay $0x1  }
0xa3: {  	s24 =	simm.s32 $0x1B8B  }
0xa4: {  	_ =	swait.ge [sflag:s24], $0x1  }
0xa5: {  	[sflag:s24] =	ssyncset.done $0x0  }
0xa6: {  	s25 =	simm.s32 $0x1B8E;
	[sflag:s24] =	ssyncadd.s32 $0xFFFFFFFF  }
0xa7: {  	s26 =	simm.s32 $execute0_lowered;
	[smem:$0x3FD2] =	sst s25  }
0xa8: {  	s6 =	sshll.u32 s26, $0x1;
	_ =	strace $0x80000046;
	[dreg:$0x1] =	wrdreg $0xFFFFFFFF  }
0xa9: {  	s28 =	simm.s32 $_size_execute0_lowered;
	s5 =	sadd.s32 s5, s6;
	[dreg:$0x0] =	wrdreg $0x0  }
0xaa: {  	s6 =	sshll.u32 s28, $0x1;
	[dreg:$0x2] =	wrdreg s5  }
0xab: {  	[dreg:$0x3] =	wrdreg s6  }
0xac: {  	[dreg:$0x4] =	wrdreg $0xC0  }
0xad: {  	_ =	task [dreg:s9], $0x5FFFF  }
0xae: {  	[dreg:$0x1] =	wrdreg $0xFFFFFFFF  }
0xaf: {  	[dreg:$0x0] =	wrdreg $0x60  }
0xb0: {  	[dreg:$0x2] =	wrdreg s2  }
0xb1: {  	[dreg:$0x3] =	wrdreg s19  }
0xb2: {  	[dreg:$0x4] =	wrdreg s4  }
0xb3: {  	[dreg:$0x5] =	wrdreg $0x9  }
0xb4: {  	_ =	task.clear_ibuf [dreg:s9], $0x6FFFF;
	_ =	strace $0x90000046  }
0xb5: {  	s29 =	simm.s32 $0x9;
	_ =	strace $0x80000048  }
0xb6: {  	_ =	swait.ge [sflag:s29], $0x1  }
0xb7: {  	[sflag:s29] =	ssyncadd.s32 $0xFFFFFFFF  }
0xb8: {  	_ =	strace $0x90000048  }
0xb9: {  	_ =	sfence  }
0xba: {  	s30 =	sld [smem:$0x0];
	_ =	sdelay $0x2  }
0xbb: {  	s31 =	sshll.u32 s1, $0xD;
	s1 =	sshrl.u32 s1, $0x2  }
0xbc: {  	s3 =	sand.u32 $0x4000, s31;
	s1 =	sadd.s32 s1, s30  }
0xbd: {  	s0 =	sor.u32 s3, s0;
	s1 =	sshll.u32 s1, $0x11  }
0xbe: {  	s0 =	sor.u32 s1, s0  }
0xbf: {  	s0 =	sadd.s32 $0x8F2B, s0  }
0xc0: {  	[sflag:s0] =	ssyncadd.remote.s32 $0x1  }
0xc1: {  	_ =	sfence.sel $0xFFFF  }
0xc2: {  	[dreg:$0x0] =	wrdreg $0xFFFFFFFF;
	(pc) =	sbr.abs _section_cstart, $3  }
0xc3: {  	[dreg:$0x1] =	wrdreg $0xFFFFFFFF  }
0xc4: {  	_ =	task.clear_ibuf [dreg:s9], $0x2FFFF;
	_ =	strace $0x9FFFFFFF  }
0xc5: {  	(tm) =	ssettm $0x7FFFFFFF  }
tec
execute0_lowered:
.L_overlay_start_1:
0x0: {  	(tag) =	ssettag $0x1  }
0x1: {  	s2 =	rddreg [dreg:$0x0]  }
0x2: {  	s0 =	srdreg.scid;
	s3 =	rddreg [dreg:$0x1]  }
0x3: {  	s1 =	stileid.u32;
	s4 =	rddreg [dreg:$0x2]  }
0x4: {  	s6 =	simm.s32 $0x0;
	s19 =	simm.s32 $0x80;
	s20 =	simm.s32 $0x400  }
0x5: {  	s22 =	simm.s32 $0x4;
	s23 =	simm.s32 $0x1;
	s24 =	simm.s32 $0x2  }
0x6: {  	s25 =	simm.s32 $0x3;
	s0 =	sand.u32 $0x1, s0;
	s1 =	sshll.u32 s1, $0x1  }
0x7: {  	s26 =	simm.s32 $0x0;
	s1 =	sor.u32 s0, s1;
	s0 =	ssub.s32 $0x2, s0  }
0x8: {  	[smem:$0x7FF] =	sst s6;
	s1 =	smul.u32 $0xD, s1;
	s10 =	sshrl.u32 s0, $0x1  }
0x9: {  	s14 =	sadd.s32 $0x3000, s4;
	_ =	strace $0x80000047;
	s0 =	ssub.s32 s0, s10  }
0xa: {  	s10 =	sadd.s32 $0x1000, s4;
	s5 =	sshrl.u32 s1, $0x4;
	s7 =	sand.u32 $0x8, s1  }
0xb: {  	s11 =	sshll.u32 s1, $0x7;
	s12 =	sand.u32 $0x70, s1;
	s16 =	sadd.s32 $0xD, s1  }
0xc: {  	s17 =	sadd.s32 $0x1, s1;
	s7 =	sshrl.u32 s7, $0x3;
	s8 =	smul.u32 $0x187000, s5  }
0xd: {  	s29 =	sshll.u32 s5, $0x12;
	s9 =	smul.u32 $0xC3800, s7;
	s7 =	sshll.u32 s7, $0x11  }
0xe: {  	s18 =	smax.u32 s0, $0x1;
	s28 =	sand.u32 $0x380, s11;
	s7 =	sor.u32 s29, s7  }
0xf: {  	s30 =	sand.u32 $0xC000, s11;
	s8 =	sadd.s32 s8, s9;
	s7 =	sor.u32 s28, s7  }
0x10: {  	s31 =	sadd.s32 s2, s12;
	s8 =	sor.u32 s28, s8;
	s7 =	sshrl.u32 s7, $0x3  }
0x11: {  	s11 =	sadd.s32 $0x2000, s4;
	s8 =	sshrl.u32 s8, $0x3;
	s9 =	sadd.s32 s4, s7  }
0x12: {  	s12 =	sadd.s32 s7, s10;
	s13 =	sadd.s32 s7, s11;
	s8 =	sadd.s32 s3, s8  }
0x13: {  	s15 =	sadd.s32 s7, s14;
	[dreg:$0x4] =	wrdreg s8;
	s8 =	sadd.s32 s30, s31  }
.LBB2_1:
0x14: {  	s0 =	rddreg [dreg:$0x4]  }
0x15: {  	[tilespmem:s6], [sflag:$0x1] =	stream.strided.gather [hbm4b:s0+s19], $0x18700, s20, s19, $0x38;
	[tilespmem:$0x1E700] =	vst v63  }
0x16: {  	s30 =	simm.s32 $0x18700  }
0x17: {  	[tilespmem:s30], [sflag:$0x4] =	stream.strided.gather [hbm4b:s8+s19], $0x4000, s20, s19, $0x38;
	[tilespmem:$0x1E700] =	vst v63  }
0x18: {  	_ =	swait.ge [sflag:s22], $0x4000  }
0x19: {  	[sflag:s22] =	ssyncset.done $0x0  }
0x1a: {  	[sflag:s22] =	ssyncadd.s32 $0xFFFFC000  }
0x1b: {  	_ =	swait.ge [sflag:s23], $0x18700  }
0x1c: {  	[sflag:s23] =	ssyncset.done $0x0  }
0x1d: {  	s31 =	simm.s32 $0x18740;
	[sflag:s23] =	ssyncadd.s32 $0xFFFE7900  }
0x1e: {  	v0 =	vld [tilespmem:s31+$0x30]  }
0x1f: {  	v1 =	vld [tilespmem:s31+$0xFFFFFFD0]  }
0x20: {  	v2 =	vld [tilespmem:s31+$0xFFFFFFE0]  }
0x21: {  	v3 =	vld [tilespmem:s31+$0xFFFFFFF0]  }
0x22: {  	v4 =	vld [tilespmem:s31+$0x0]  }
0x23: {  	v6 =	vld [tilespmem:s31+$0x10]  }
0x24: {  	v7 =	vld [tilespmem:s31+$0x20]  }
0x25: {  	v8 =	vld [tilespmem:s31+$0xFFFFFFC0]  }
0x26: {  	v9 =	vld.idx.msk [tilespmem:v0+s6+$0x0], $0xffff  }
0x27: {  	v10 =	vld.idx.msk [tilespmem:v1+s6+$0x0], $0xffff  }
0x28: {  	v5 =	vld.idx.msk [tilespmem:v2+s6+$0x0], $0xffff  }
0x29: {  	v3 =	vld.idx.msk [tilespmem:v3+s6+$0x0], $0xffff  }
0x2a: {  	v0 =	vld.idx.msk [tilespmem:v4+s6+$0x0], $0xffff  }
0x2b: {  	s1 =	simm.s32 $0x1C740;
	v1 =	vld.idx.msk [tilespmem:v6+s6+$0x0], $0xffff  }
0x2c: {  	v2 =	vld.idx.msk [tilespmem:v7+s6+$0x0], $0xffff;
	[tilespmem:s1+$0x30] =	vst v9  }
0x2d: {  	s28 =	simm.s32 $0x0;
	s0 =	simm.s32 $0x187C0;
	v4 =	vld.idx.msk [tilespmem:v8+s6+$0x0], $0xffff;
	[tilespmem:s1+$0xFFFFFFD0] =	vst v10  }
.LBB2_2:
0x2e: {  	v6 =	vld [tilespmem:s0+$0x30];
	s28 =	sadd.s32 $0x8, s28;
	[tilespmem:s1+$0xFFFFFFE0] =	vst v5  }
0x2f: {  	v5 =	vld [tilespmem:s0+$0xFFFFFFD0];
	p0 =	slt.u32 s28, $0xF8;
	[tilespmem:s1+$0xFFFFFFF0] =	vst v3  }
0x30: {  	v3 =	vld [tilespmem:s0+$0xFFFFFFE0];
	[tilespmem:s1+$0x0] =	vst v0  }
0x31: {  	v0 =	vld [tilespmem:s0+$0xFFFFFFF0];
	[tilespmem:s1+$0x10] =	vst v1  }
0x32: {  	v1 =	vld [tilespmem:s0+$0x0];
	[tilespmem:s1+$0x20] =	vst v2  }
0x33: {  	v2 =	vld [tilespmem:s0+$0x10];
	[tilespmem:s1+$0xFFFFFFC0] =	vst v4  }
0x34: {  	v4 =	vld [tilespmem:s0+$0x20]  }
0x35: {  	v7 =	vld [tilespmem:s0+$0xFFFFFFC0]  }
0x36: {  	v6 =	vld.idx.msk [tilespmem:v6+s6+$0x0], $0xffff  }
0x37: {  	v8 =	vld.idx.msk [tilespmem:v5+s6+$0x0], $0xffff  }
0x38: {  	v5 =	vld.idx.msk [tilespmem:v3+s6+$0x0], $0xffff  }
.Ltmp0:
0x39: {  	v3 =	vld.idx.msk [tilespmem:v0+s6+$0x0], $0xffff;
	(pc) =	sbr.rel @p0 .LBB2_2-.Ltmp0, $4  }
0x3a: {  	v0 =	vld.idx.msk [tilespmem:v1+s6+$0x0], $0xffff  }
0x3b: {  	s1 =	sadd.s32 $0x100, s1;
	v1 =	vld.idx.msk [tilespmem:v2+s6+$0x0], $0xffff  }
0x3c: {  	v2 =	vld.idx.msk [tilespmem:v4+s6+$0x0], $0xffff;
	[tilespmem:s1+$0x30] =	vst v6  }
0x3d: {  	s0 =	sadd.s32 $0x80, s0;
	v4 =	vld.idx.msk [tilespmem:v7+s6+$0x0], $0xffff;
	[tilespmem:s1+$0xFFFFFFD0] =	vst v8  }
0x3e: {  	[tilespmem:s1+$0xFFFFFFE0] =	vst v5  }
0x3f: {  	[tilespmem:s1+$0xFFFFFFF0] =	vst v3  }
0x40: {  	[tilespmem:s1+$0x0] =	vst v0  }
0x41: {  	[tilespmem:s1+$0x10] =	vst v1  }
0x42: {  	[tilespmem:s1+$0x20] =	vst v2  }
0x43: {  	s0 =	simm.s32 $0x0;
	[tilespmem:s1+$0xFFFFFFC0] =	vst v4;
	s1 =	simm.s32 $0x1C700  }
.LBB2_4:
0x44: {  	p0 =	sne.s32 s0, $0xF80  }
.Ltmp1:
0x45: {  	_ = 	snop;
	(pc) =	sbr.rel @p0 .LBB2_4-.Ltmp1, $4  }
0x46: {  	_ = 	snop  }
0x47: {  	s7 =	sadd.s32 s0, s9  }
0x48: {  	[hbm4b:s7+s6] =	stream.linear.scatter [tilespmem:s1], [sflag:$0x2], $0x80, $0x38;
	[tilespmem:$0x1E700] =	vst v63  }
0x49: {  	s0 =	sadd.s32 $0x80, s0;
	s1 =	sadd.s32 $0x100, s1  }
0x4a: {  	s0 =	simm.s32 $0x19770  }
0x4b: {  	v0 =	vld [tilespmem:s0+$0x0]  }
0x4c: {  	v1 =	vld [tilespmem:s0+$0xFFFFFFA0]  }
0x4d: {  	v2 =	vld [tilespmem:s0+$0xFFFFFFB0]  }
0x4e: {  	v3 =	vld [tilespmem:s0+$0xFFFFFFC0]  }
0x4f: {  	v4 =	vld [tilespmem:s0+$0xFFFFFFD0]  }
0x50: {  	v6 =	vld [tilespmem:s0+$0xFFFFFFE0]  }
0x51: {  	v7 =	vld [tilespmem:s0+$0xFFFFFFF0]  }
0x52: {  	v8 =	vld [tilespmem:s0+$0xFFFFFF90]  }
0x53: {  	v9 =	vld.idx.msk [tilespmem:v0+s6+$0x0], $0xffff  }
0x54: {  	v10 =	vld.idx.msk [tilespmem:v1+s6+$0x0], $0xffff  }
0x55: {  	v5 =	vld.idx.msk [tilespmem:v2+s6+$0x0], $0xffff  }
0x56: {  	v3 =	vld.idx.msk [tilespmem:v3+s6+$0x0], $0xffff  }
0x57: {  	v0 =	vld.idx.msk [tilespmem:v4+s6+$0x0], $0xffff  }
0x58: {  	s1 =	simm.s32 $0x1C7F0;
	v1 =	vld.idx.msk [tilespmem:v6+s6+$0x0], $0xffff  }
0x59: {  	v2 =	vld.idx.msk [tilespmem:v7+s6+$0x0], $0xffff;
	[tilespmem:s1+$0x0] =	vst v9  }
0x5a: {  	s28 =	simm.s32 $0x0;
	s0 =	simm.s32 $0x197F0;
	v4 =	vld.idx.msk [tilespmem:v8+s6+$0x0], $0xffff;
	[tilespmem:s1+$0xFFFFFFA0] =	vst v10  }
.LBB2_6:
0x5b: {  	v6 =	vld [tilespmem:s0+$0x0];
	s28 =	sadd.s32 $0x8, s28;
	[tilespmem:s1+$0xFFFFFFB0] =	vst v5  }
0x5c: {  	v5 =	vld [tilespmem:s0+$0xFFFFFFA0];
	p0 =	slt.u32 s28, $0xF8;
	[tilespmem:s1+$0xFFFFFFC0] =	vst v3  }
0x5d: {  	v3 =	vld [tilespmem:s0+$0xFFFFFFB0];
	[tilespmem:s1+$0xFFFFFFD0] =	vst v0  }
0x5e: {  	v0 =	vld [tilespmem:s0+$0xFFFFFFC0];
	[tilespmem:s1+$0xFFFFFFE0] =	vst v1  }
0x5f: {  	v1 =	vld [tilespmem:s0+$0xFFFFFFD0];
	[tilespmem:s1+$0xFFFFFFF0] =	vst v2  }
0x60: {  	v2 =	vld [tilespmem:s0+$0xFFFFFFE0];
	[tilespmem:s1+$0xFFFFFF90] =	vst v4  }
0x61: {  	v4 =	vld [tilespmem:s0+$0xFFFFFFF0]  }
0x62: {  	v7 =	vld [tilespmem:s0+$0xFFFFFF90]  }
0x63: {  	v6 =	vld.idx.msk [tilespmem:v6+s6+$0x0], $0xffff  }
0x64: {  	v8 =	vld.idx.msk [tilespmem:v5+s6+$0x0], $0xffff  }
0x65: {  	v5 =	vld.idx.msk [tilespmem:v3+s6+$0x0], $0xffff  }
.Ltmp2:
0x66: {  	v3 =	vld.idx.msk [tilespmem:v0+s6+$0x0], $0xffff;
	(pc) =	sbr.rel @p0 .LBB2_6-.Ltmp2, $4  }
0x67: {  	v0 =	vld.idx.msk [tilespmem:v1+s6+$0x0], $0xffff  }
0x68: {  	s1 =	sadd.s32 $0x100, s1;
	v1 =	vld.idx.msk [tilespmem:v2+s6+$0x0], $0xffff  }
0x69: {  	v2 =	vld.idx.msk [tilespmem:v4+s6+$0x0], $0xffff;
	[tilespmem:s1+$0x0] =	vst v6  }
0x6a: {  	s0 =	sadd.s32 $0x80, s0;
	v4 =	vld.idx.msk [tilespmem:v7+s6+$0x0], $0xffff;
	[tilespmem:s1+$0xFFFFFFA0] =	vst v8  }
0x6b: {  	[tilespmem:s1+$0xFFFFFFB0] =	vst v5  }
0x6c: {  	[tilespmem:s1+$0xFFFFFFC0] =	vst v3  }
0x6d: {  	[tilespmem:s1+$0xFFFFFFD0] =	vst v0  }
0x6e: {  	[tilespmem:s1+$0xFFFFFFE0] =	vst v1  }
0x6f: {  	s0 =	simm.s32 $0x1C780;
	[tilespmem:s1+$0xFFFFFFF0] =	vst v2  }
0x70: {  	s28 =	sadd.s32 $0x0, s12;
	s21 =	simm.s32 $0x1C880;
	[tilespmem:s1+$0xFFFFFF90] =	vst v4;
	s1 =	simm.s32 $0x80  }
.LBB2_8:
0x71: {  	[hbm4b:s28+s6] =	stream.linear.scatter [tilespmem:s0], [sflag:$0x3], $0x80, $0x38;
	[tilespmem:$0x1E700] =	vst v63  }
0x72: {  	s7 =	smov.u32 s1;
	s0 =	smov.u32 s21;
	p0 =	sne.s32 s1, $0xF80  }
.Ltmp3:
0x73: {  	s1 =	sadd.s32 $0x80, s1;
	(pc) =	sbr.rel @p0 .LBB2_8-.Ltmp3, $2  }
0x74: {  	_ =	sdelay $0x2  }
0x75: {  	s21 =	sadd.s32 $0x100, s21;
	s28 =	sadd.s32 s7, s12  }
0x76: {  	[hbm4b:s28+s6] =	stream.linear.scatter [tilespmem:s0], [sflag:$0x3], $0x80, $0x38;
	[tilespmem:$0x1E700] =	vst v63  }
0x77: {  	_ =	swait.ge [sflag:s24], $0x1000  }
0x78: {  	[sflag:s24] =	ssyncset.done $0x0  }
0x79: {  	s31 =	simm.s32 $0x1A770;
	[sflag:s24] =	ssyncadd.s32 $0xFFFFF000  }
0x7a: {  	v0 =	vld [tilespmem:s31+$0x0]  }
0x7b: {  	v1 =	vld [tilespmem:s31+$0xFFFFFFA0]  }
0x7c: {  	v2 =	vld [tilespmem:s31+$0xFFFFFFB0]  }
0x7d: {  	v3 =	vld [tilespmem:s31+$0xFFFFFFC0]  }
0x7e: {  	v4 =	vld [tilespmem:s31+$0xFFFFFFD0]  }
0x7f: {  	v6 =	vld [tilespmem:s31+$0xFFFFFFE0]  }
0x80: {  	v7 =	vld [tilespmem:s31+$0xFFFFFFF0]  }
0x81: {  	v8 =	vld [tilespmem:s31+$0xFFFFFF90]  }
0x82: {  	v9 =	vld.idx.msk [tilespmem:v0+s6+$0x0], $0xffff  }
0x83: {  	v10 =	vld.idx.msk [tilespmem:v1+s6+$0x0], $0xffff  }
0x84: {  	v5 =	vld.idx.msk [tilespmem:v2+s6+$0x0], $0xffff  }
0x85: {  	v3 =	vld.idx.msk [tilespmem:v3+s6+$0x0], $0xffff  }
0x86: {  	v0 =	vld.idx.msk [tilespmem:v4+s6+$0x0], $0xffff  }
0x87: {  	s1 =	simm.s32 $0x1C740;
	v1 =	vld.idx.msk [tilespmem:v6+s6+$0x0], $0xffff  }
0x88: {  	v2 =	vld.idx.msk [tilespmem:v7+s6+$0x0], $0xffff;
	[tilespmem:s1+$0x30] =	vst v9  }
0x89: {  	s28 =	simm.s32 $0x0;
	s0 =	simm.s32 $0x1A7F0;
	v4 =	vld.idx.msk [tilespmem:v8+s6+$0x0], $0xffff;
	[tilespmem:s1+$0xFFFFFFD0] =	vst v10  }
.LBB2_10:
0x8a: {  	v6 =	vld [tilespmem:s0+$0x0];
	s28 =	sadd.s32 $0x8, s28;
	[tilespmem:s1+$0xFFFFFFE0] =	vst v5  }
0x8b: {  	v5 =	vld [tilespmem:s0+$0xFFFFFFA0];
	p0 =	slt.u32 s28, $0xF8;
	[tilespmem:s1+$0xFFFFFFF0] =	vst v3  }
0x8c: {  	v3 =	vld [tilespmem:s0+$0xFFFFFFB0];
	[tilespmem:s1+$0x0] =	vst v0  }
0x8d: {  	v0 =	vld [tilespmem:s0+$0xFFFFFFC0];
	[tilespmem:s1+$0x10] =	vst v1  }
0x8e: {  	v1 =	vld [tilespmem:s0+$0xFFFFFFD0];
	[tilespmem:s1+$0x20] =	vst v2  }
0x8f: {  	v2 =	vld [tilespmem:s0+$0xFFFFFFE0];
	[tilespmem:s1+$0xFFFFFFC0] =	vst v4  }
0x90: {  	v4 =	vld [tilespmem:s0+$0xFFFFFFF0]  }
0x91: {  	v7 =	vld [tilespmem:s0+$0xFFFFFF90]  }
0x92: {  	v6 =	vld.idx.msk [tilespmem:v6+s6+$0x0], $0xffff  }
0x93: {  	v8 =	vld.idx.msk [tilespmem:v5+s6+$0x0], $0xffff  }
0x94: {  	v5 =	vld.idx.msk [tilespmem:v3+s6+$0x0], $0xffff  }
.Ltmp4:
0x95: {  	v3 =	vld.idx.msk [tilespmem:v0+s6+$0x0], $0xffff;
	(pc) =	sbr.rel @p0 .LBB2_10-.Ltmp4, $4  }
0x96: {  	v0 =	vld.idx.msk [tilespmem:v1+s6+$0x0], $0xffff  }
0x97: {  	s1 =	sadd.s32 $0x100, s1;
	v1 =	vld.idx.msk [tilespmem:v2+s6+$0x0], $0xffff  }
0x98: {  	v2 =	vld.idx.msk [tilespmem:v4+s6+$0x0], $0xffff;
	[tilespmem:s1+$0x30] =	vst v6  }
0x99: {  	s0 =	sadd.s32 $0x80, s0;
	v4 =	vld.idx.msk [tilespmem:v7+s6+$0x0], $0xffff;
	[tilespmem:s1+$0xFFFFFFD0] =	vst v8  }
0x9a: {  	[tilespmem:s1+$0xFFFFFFE0] =	vst v5  }
0x9b: {  	[tilespmem:s1+$0xFFFFFFF0] =	vst v3  }
0x9c: {  	[tilespmem:s1+$0x0] =	vst v0  }
0x9d: {  	[tilespmem:s1+$0x10] =	vst v1  }
0x9e: {  	s0 =	simm.s32 $0x1C700;
	[tilespmem:s1+$0x20] =	vst v2  }
0x9f: {  	s28 =	sadd.s32 $0x0, s13;
	s21 =	simm.s32 $0x1C800;
	[tilespmem:s1+$0xFFFFFFC0] =	vst v4;
	s1 =	simm.s32 $0x80  }
.LBB2_12:
0xa0: {  	[hbm4b:s28+s6] =	stream.linear.scatter [tilespmem:s0], [sflag:$0x2], $0x80, $0x38;
	[tilespmem:$0x1E700] =	vst v63  }
0xa1: {  	s7 =	smov.u32 s1;
	s0 =	smov.u32 s21;
	p0 =	sne.s32 s1, $0xF80  }
.Ltmp5:
0xa2: {  	s1 =	sadd.s32 $0x80, s1;
	(pc) =	sbr.rel @p0 .LBB2_12-.Ltmp5, $2  }
0xa3: {  	_ =	sdelay $0x2  }
0xa4: {  	s21 =	sadd.s32 $0x100, s21;
	s28 =	sadd.s32 s7, s13  }
0xa5: {  	[hbm4b:s28+s6] =	stream.linear.scatter [tilespmem:s0], [sflag:$0x2], $0x80, $0x38;
	[tilespmem:$0x1E700] =	vst v63  }
0xa6: {  	_ =	swait.ge [sflag:s25], $0x1000  }
0xa7: {  	[sflag:s25] =	ssyncset.done $0x0  }
0xa8: {  	s31 =	simm.s32 $0x1B770;
	[sflag:s25] =	ssyncadd.s32 $0xFFFFF000  }
0xa9: {  	v0 =	vld [tilespmem:s31+$0x0]  }
0xaa: {  	v1 =	vld [tilespmem:s31+$0xFFFFFFA0]  }
0xab: {  	v2 =	vld [tilespmem:s31+$0xFFFFFFB0]  }
0xac: {  	v3 =	vld [tilespmem:s31+$0xFFFFFFC0]  }
0xad: {  	v4 =	vld [tilespmem:s31+$0xFFFFFFD0]  }
0xae: {  	v6 =	vld [tilespmem:s31+$0xFFFFFFE0]  }
0xaf: {  	v7 =	vld [tilespmem:s31+$0xFFFFFFF0]  }
0xb0: {  	v8 =	vld [tilespmem:s31+$0xFFFFFF90]  }
0xb1: {  	v9 =	vld.idx.msk [tilespmem:v0+s6+$0x0], $0xffff  }
0xb2: {  	v10 =	vld.idx.msk [tilespmem:v1+s6+$0x0], $0xffff  }
0xb3: {  	v5 =	vld.idx.msk [tilespmem:v2+s6+$0x0], $0xffff  }
0xb4: {  	v3 =	vld.idx.msk [tilespmem:v3+s6+$0x0], $0xffff  }
0xb5: {  	v0 =	vld.idx.msk [tilespmem:v4+s6+$0x0], $0xffff  }
0xb6: {  	s1 =	simm.s32 $0x1C7F0;
	v1 =	vld.idx.msk [tilespmem:v6+s6+$0x0], $0xffff  }
0xb7: {  	v2 =	vld.idx.msk [tilespmem:v7+s6+$0x0], $0xffff;
	[tilespmem:s1+$0x0] =	vst v9  }
0xb8: {  	s28 =	simm.s32 $0x0;
	s0 =	simm.s32 $0x1B7F0;
	v4 =	vld.idx.msk [tilespmem:v8+s6+$0x0], $0xffff;
	[tilespmem:s1+$0xFFFFFFA0] =	vst v10  }
.LBB2_14:
0xb9: {  	v6 =	vld [tilespmem:s0+$0x0];
	s28 =	sadd.s32 $0x8, s28;
	[tilespmem:s1+$0xFFFFFFB0] =	vst v5  }
0xba: {  	v5 =	vld [tilespmem:s0+$0xFFFFFFA0];
	p0 =	slt.u32 s28, $0xF8;
	[tilespmem:s1+$0xFFFFFFC0] =	vst v3  }
0xbb: {  	v3 =	vld [tilespmem:s0+$0xFFFFFFB0];
	[tilespmem:s1+$0xFFFFFFD0] =	vst v0  }
0xbc: {  	v0 =	vld [tilespmem:s0+$0xFFFFFFC0];
	[tilespmem:s1+$0xFFFFFFE0] =	vst v1  }
0xbd: {  	v1 =	vld [tilespmem:s0+$0xFFFFFFD0];
	[tilespmem:s1+$0xFFFFFFF0] =	vst v2  }
0xbe: {  	v2 =	vld [tilespmem:s0+$0xFFFFFFE0];
	[tilespmem:s1+$0xFFFFFF90] =	vst v4  }
0xbf: {  	v4 =	vld [tilespmem:s0+$0xFFFFFFF0]  }
0xc0: {  	v7 =	vld [tilespmem:s0+$0xFFFFFF90]  }
0xc1: {  	v6 =	vld.idx.msk [tilespmem:v6+s6+$0x0], $0xffff  }
0xc2: {  	v8 =	vld.idx.msk [tilespmem:v5+s6+$0x0], $0xffff  }
0xc3: {  	v5 =	vld.idx.msk [tilespmem:v3+s6+$0x0], $0xffff  }
.Ltmp6:
0xc4: {  	v3 =	vld.idx.msk [tilespmem:v0+s6+$0x0], $0xffff;
	(pc) =	sbr.rel @p0 .LBB2_14-.Ltmp6, $4  }
0xc5: {  	v0 =	vld.idx.msk [tilespmem:v1+s6+$0x0], $0xffff  }
0xc6: {  	s1 =	sadd.s32 $0x100, s1;
	v1 =	vld.idx.msk [tilespmem:v2+s6+$0x0], $0xffff  }
0xc7: {  	v2 =	vld.idx.msk [tilespmem:v4+s6+$0x0], $0xffff;
	[tilespmem:s1+$0x0] =	vst v6  }
0xc8: {  	s0 =	sadd.s32 $0x80, s0;
	v4 =	vld.idx.msk [tilespmem:v7+s6+$0x0], $0xffff;
	[tilespmem:s1+$0xFFFFFFA0] =	vst v8  }
0xc9: {  	[tilespmem:s1+$0xFFFFFFB0] =	vst v5  }
0xca: {  	[tilespmem:s1+$0xFFFFFFC0] =	vst v3  }
0xcb: {  	[tilespmem:s1+$0xFFFFFFD0] =	vst v0  }
0xcc: {  	[tilespmem:s1+$0xFFFFFFE0] =	vst v1  }
0xcd: {  	s0 =	simm.s32 $0x1C780;
	[tilespmem:s1+$0xFFFFFFF0] =	vst v2  }
0xce: {  	s28 =	sadd.s32 $0x0, s15;
	s21 =	simm.s32 $0x1C880;
	[tilespmem:s1+$0xFFFFFF90] =	vst v4;
	s1 =	simm.s32 $0x80  }
.LBB2_16:
0xcf: {  	[hbm4b:s28+s6] =	stream.linear.scatter [tilespmem:s0], [sflag:$0x3], $0x80, $0x38;
	[tilespmem:$0x1E700] =	vst v63  }
0xd0: {  	s7 =	smov.u32 s1;
	s0 =	smov.u32 s21;
	p0 =	seq.s32 s1, $0xF80  }
.Ltmp7:
0xd1: {  	s1 =	sadd.s32 $0x80, s1;
	(pc) =	sbr.rel @!p0 .LBB2_16-.Ltmp7, $2  }
0xd2: {  	_ =	sdelay $0x2  }
0xd3: {  	s21 =	sadd.s32 $0x100, s21;
	s28 =	sadd.s32 s7, s15  }
0xd4: {  	[hbm4b:s28+s6] =	stream.linear.scatter [tilespmem:s0], [sflag:$0x3], $0x80, $0x38;
	[tilespmem:$0x1E700] =	vst v63  }
0xd5: {  	s28 =	smov.u32 s17;
	s29 =	smov.u32 s5  }
.LBB2_19:
0xd6: {  	s0 =	smov.u32 s29;
	s29 =	sshrl.u32 s28, $0x4;
	s1 =	sshrl.u32 s28, $0x3  }
0xd7: {  	s1 =	sand.u32 $0x1, s1;
	s7 =	smul.u32 $0x187000, s29  }
0xd8: {  	s21 =	smul.u32 $0xC3800, s1  }
0xd9: {  	s30 =	sshll.u32 s28, $0x7  }
0xda: {  	s30 =	sand.u32 $0x380, s30;
	s7 =	sadd.s32 s21, s7  }
0xdb: {  	s7 =	sor.u32 s30, s7  }
0xdc: {  	s7 =	sshrl.u32 s7, $0x3  }
0xdd: {  	p0 =	seq.s32 s29, s0;
	s7 =	sadd.s32 s3, s7  }
0xde: {  	[tilespmem:s6], [sflag:$0x1] =	stream.strided.gather [hbm4b:s7+s19], $0x18700, s20, s19, $0x38;
	[tilespmem:$0x1E700] =	vst v63  }
0xdf: {  	s0 =	sshll.u32 @!p0 s29, $0xE;
	s7 =	sshll.u32 @!p0 s29, $0x7  }
0xe0: {  	s0 =	sand.u32 @!p0 $0xFFFE0000, s0;
	s7 =	sand.u32 @!p0 $0x380, s7  }
0xe1: {  	s0 =	sor.u32 @!p0 s7, s0  }
0xe2: {  	s31 =	simm.s32 @!p0 $0x18700;
	s0 =	sshrl.u32 @!p0 s0, $0x3  }
0xe3: {  	s21 =	simm.s32 @!p0 $0x400;
	s7 =	simm.s32 @!p0 $0x80;
	s0 =	sadd.s32 @!p0 s2, s0  }
0xe4: {  	[tilespmem:s31], [sflag:$0x4] =	stream.strided.gather @!p0 [hbm4b:s0+s7], $0x4000, s21, s7, $0x38;
	[tilespmem:$0x1E700] =	vst v63  }
0xe5: {  	s0 =	simm.s32 @!p0 $0x4  }
0xe6: {  	_ =	swait.ge @!p0 [sflag:s0], $0x4000  }
0xe7: {  	[sflag:s0] =	ssyncset.done @!p0 $0x0  }
0xe8: {  	[sflag:s0] =	ssyncadd.s32 @!p0 $0xFFFFC000  }
0xe9: {  	_ =	swait.ge [sflag:s23], $0x18700  }
0xea: {  	[sflag:s23] =	ssyncset.done $0x0  }
0xeb: {  	[sflag:s23] =	ssyncadd.s32 $0xFFFE7900  }
0xec: {  	_ =	swait.ge [sflag:s24], $0x1000  }
0xed: {  	[sflag:s24] =	ssyncset.done $0x0  }
0xee: {  	s21 =	simm.s32 $0x18740;
	[sflag:s24] =	ssyncadd.s32 $0xFFFFF000  }
0xef: {  	v0 =	vld [tilespmem:s21+$0x30]  }
0xf0: {  	v1 =	vld [tilespmem:s21+$0xFFFFFFD0]  }
0xf1: {  	v2 =	vld [tilespmem:s21+$0xFFFFFFE0]  }
0xf2: {  	v3 =	vld [tilespmem:s21+$0xFFFFFFF0]  }
0xf3: {  	v4 =	vld [tilespmem:s21+$0x0]  }
0xf4: {  	v6 =	vld [tilespmem:s21+$0x10]  }
0xf5: {  	v7 =	vld [tilespmem:s21+$0x20]  }
0xf6: {  	v8 =	vld [tilespmem:s21+$0xFFFFFFC0]  }
0xf7: {  	v9 =	vld.idx.msk [tilespmem:v0+s6+$0x0], $0xffff  }
0xf8: {  	v10 =	vld.idx.msk [tilespmem:v1+s6+$0x0], $0xffff  }
0xf9: {  	v5 =	vld.idx.msk [tilespmem:v2+s6+$0x0], $0xffff  }
0xfa: {  	s1 =	sshll.u32 s1, $0x11;
	s7 =	sshll.u32 s29, $0x12;
	v3 =	vld.idx.msk [tilespmem:v3+s6+$0x0], $0xffff  }
0xfb: {  	s0 =	sor.u32 s1, s7;
	v2 =	vld.idx.msk [tilespmem:v4+s6+$0x0], $0xffff  }
0xfc: {  	s1 =	simm.s32 $0x1C740;
	s0 =	sor.u32 s30, s0;
	v0 =	vld.idx.msk [tilespmem:v6+s6+$0x0], $0xffff  }
0xfd: {  	s30 =	sshrl.u32 s0, $0x3;
	v1 =	vld.idx.msk [tilespmem:v7+s6+$0x0], $0xffff;
	[tilespmem:s1+$0x30] =	vst v9  }
0xfe: {  	s0 =	simm.s32 $0x0;
	s31 =	sadd.s32 s4, s30;
	s21 =	simm.s32 $0x187C0;
	v4 =	vld.idx.msk [tilespmem:v8+s6+$0x0], $0xffff;
	[tilespmem:s1+$0xFFFFFFD0] =	vst v10  }
.LBB2_20:
0xff: {  	v6 =	vld [tilespmem:s21+$0x30];
	s0 =	sadd.s32 $0x8, s0;
	[tilespmem:s1+$0xFFFFFFE0] =	vst v5  }
0x100: {  	v5 =	vld [tilespmem:s21+$0xFFFFFFD0];
	p0 =	slt.u32 s0, $0xF8;
	[tilespmem:s1+$0xFFFFFFF0] =	vst v3  }
0x101: {  	v3 =	vld [tilespmem:s21+$0xFFFFFFE0];
	[tilespmem:s1+$0x0] =	vst v2  }
0x102: {  	v2 =	vld [tilespmem:s21+$0xFFFFFFF0];
	[tilespmem:s1+$0x10] =	vst v0  }
0x103: {  	v0 =	vld [tilespmem:s21+$0x0];
	[tilespmem:s1+$0x20] =	vst v1  }
0x104: {  	v1 =	vld [tilespmem:s21+$0x10];
	[tilespmem:s1+$0xFFFFFFC0] =	vst v4  }
0x105: {  	v4 =	vld [tilespmem:s21+$0x20]  }
0x106: {  	v7 =	vld [tilespmem:s21+$0xFFFFFFC0]  }
0x107: {  	v6 =	vld.idx.msk [tilespmem:v6+s6+$0x0], $0xffff  }
0x108: {  	v8 =	vld.idx.msk [tilespmem:v5+s6+$0x0], $0xffff  }
0x109: {  	v5 =	vld.idx.msk [tilespmem:v3+s6+$0x0], $0xffff  }
.Ltmp8:
0x10a: {  	v3 =	vld.idx.msk [tilespmem:v2+s6+$0x0], $0xffff;
	(pc) =	sbr.rel @p0 .LBB2_20-.Ltmp8, $4  }
0x10b: {  	v2 =	vld.idx.msk [tilespmem:v0+s6+$0x0], $0xffff  }
0x10c: {  	s1 =	sadd.s32 $0x100, s1;
	v0 =	vld.idx.msk [tilespmem:v1+s6+$0x0], $0xffff  }
0x10d: {  	v1 =	vld.idx.msk [tilespmem:v4+s6+$0x0], $0xffff;
	[tilespmem:s1+$0x30] =	vst v6  }
0x10e: {  	s21 =	sadd.s32 $0x80, s21;
	v4 =	vld.idx.msk [tilespmem:v7+s6+$0x0], $0xffff;
	[tilespmem:s1+$0xFFFFFFD0] =	vst v8  }
0x10f: {  	[tilespmem:s1+$0xFFFFFFE0] =	vst v5  }
0x110: {  	[tilespmem:s1+$0xFFFFFFF0] =	vst v3  }
0x111: {  	[tilespmem:s1+$0x0] =	vst v2  }
0x112: {  	[tilespmem:s1+$0x10] =	vst v0  }
0x113: {  	s0 =	simm.s32 $0x1C700;
	[tilespmem:s1+$0x20] =	vst v1  }
0x114: {  	s7 =	sadd.s32 $0x0, s31;
	s21 =	simm.s32 $0x1C800;
	[tilespmem:s1+$0xFFFFFFC0] =	vst v4;
	s1 =	simm.s32 $0x80  }
.LBB2_22:
0x115: {  	[hbm4b:s7+s6] =	stream.linear.scatter [tilespmem:s0], [sflag:$0x2], $0x80, $0x38;
	[tilespmem:$0x1E700] =	vst v63  }
0x116: {  	s7 =	smov.u32 s1;
	s0 =	smov.u32 s21;
	p0 =	sne.s32 s1, $0xF80  }
.Ltmp9:
0x117: {  	s1 =	sadd.s32 $0x80, s1;
	(pc) =	sbr.rel @p0 .LBB2_22-.Ltmp9, $2  }
0x118: {  	_ =	sdelay $0x2  }
0x119: {  	s21 =	sadd.s32 $0x100, s21;
	s7 =	sadd.s32 s7, s31  }
0x11a: {  	[hbm4b:s7+s6] =	stream.linear.scatter [tilespmem:s0], [sflag:$0x2], $0x80, $0x38;
	[tilespmem:$0x1E700] =	vst v63  }
0x11b: {  	_ =	swait.ge [sflag:s25], $0x1000  }
0x11c: {  	[sflag:s25] =	ssyncset.done $0x0  }
0x11d: {  	s31 =	simm.s32 $0x19770;
	[sflag:s25] =	ssyncadd.s32 $0xFFFFF000  }
0x11e: {  	v0 =	vld [tilespmem:s31+$0x0]  }
0x11f: {  	v1 =	vld [tilespmem:s31+$0xFFFFFFA0]  }
0x120: {  	v2 =	vld [tilespmem:s31+$0xFFFFFFB0]  }
0x121: {  	v3 =	vld [tilespmem:s31+$0xFFFFFFC0]  }
0x122: {  	v6 =	vld [tilespmem:s31+$0xFFFFFFD0]  }
0x123: {  	v7 =	vld [tilespmem:s31+$0xFFFFFFE0]  }
0x124: {  	v8 =	vld [tilespmem:s31+$0xFFFFFFF0]  }
0x125: {  	v9 =	vld [tilespmem:s31+$0xFFFFFF90]  }
0x126: {  	v10 =	vld.idx.msk [tilespmem:v0+s6+$0x0], $0xffff  }
0x127: {  	v11 =	vld.idx.msk [tilespmem:v1+s6+$0x0], $0xffff  }
0x128: {  	v5 =	vld.idx.msk [tilespmem:v2+s6+$0x0], $0xffff  }
0x129: {  	v4 =	vld.idx.msk [tilespmem:v3+s6+$0x0], $0xffff  }
0x12a: {  	v0 =	vld.idx.msk [tilespmem:v6+s6+$0x0], $0xffff  }
0x12b: {  	s1 =	simm.s32 $0x1C7F0;
	v1 =	vld.idx.msk [tilespmem:v7+s6+$0x0], $0xffff  }
0x12c: {  	v2 =	vld.idx.msk [tilespmem:v8+s6+$0x0], $0xffff;
	[tilespmem:s1+$0x0] =	vst v10  }
0x12d: {  	s0 =	simm.s32 $0x0;
	s21 =	simm.s32 $0x197F0;
	v3 =	vld.idx.msk [tilespmem:v9+s6+$0x0], $0xffff;
	[tilespmem:s1+$0xFFFFFFA0] =	vst v11  }
.LBB2_24:
0x12e: {  	v6 =	vld [tilespmem:s21+$0x0];
	s0 =	sadd.s32 $0x8, s0;
	[tilespmem:s1+$0xFFFFFFB0] =	vst v5  }
0x12f: {  	v5 =	vld [tilespmem:s21+$0xFFFFFFA0];
	p0 =	slt.u32 s0, $0xF8;
	[tilespmem:s1+$0xFFFFFFC0] =	vst v4  }
0x130: {  	v4 =	vld [tilespmem:s21+$0xFFFFFFB0];
	[tilespmem:s1+$0xFFFFFFD0] =	vst v0  }
0x131: {  	v0 =	vld [tilespmem:s21+$0xFFFFFFC0];
	[tilespmem:s1+$0xFFFFFFE0] =	vst v1  }
0x132: {  	v1 =	vld [tilespmem:s21+$0xFFFFFFD0];
	[tilespmem:s1+$0xFFFFFFF0] =	vst v2  }
0x133: {  	v2 =	vld [tilespmem:s21+$0xFFFFFFE0];
	[tilespmem:s1+$0xFFFFFF90] =	vst v3  }
0x134: {  	v3 =	vld [tilespmem:s21+$0xFFFFFFF0]  }
0x135: {  	v7 =	vld [tilespmem:s21+$0xFFFFFF90]  }
0x136: {  	v6 =	vld.idx.msk [tilespmem:v6+s6+$0x0], $0xffff  }
0x137: {  	v8 =	vld.idx.msk [tilespmem:v5+s6+$0x0], $0xffff  }
0x138: {  	v5 =	vld.idx.msk [tilespmem:v4+s6+$0x0], $0xffff  }
.Ltmp10:
0x139: {  	v4 =	vld.idx.msk [tilespmem:v0+s6+$0x0], $0xffff;
	(pc) =	sbr.rel @p0 .LBB2_24-.Ltmp10, $4  }
0x13a: {  	v0 =	vld.idx.msk [tilespmem:v1+s6+$0x0], $0xffff  }
0x13b: {  	s1 =	sadd.s32 $0x100, s1;
	v1 =	vld.idx.msk [tilespmem:v2+s6+$0x0], $0xffff  }
0x13c: {  	v2 =	vld.idx.msk [tilespmem:v3+s6+$0x0], $0xffff;
	[tilespmem:s1+$0x0] =	vst v6  }
0x13d: {  	s21 =	sadd.s32 $0x80, s21;
	v3 =	vld.idx.msk [tilespmem:v7+s6+$0x0], $0xffff;
	[tilespmem:s1+$0xFFFFFFA0] =	vst v8  }
0x13e: {  	[tilespmem:s1+$0xFFFFFFB0] =	vst v5  }
0x13f: {  	[tilespmem:s1+$0xFFFFFFC0] =	vst v4  }
0x140: {  	[tilespmem:s1+$0xFFFFFFD0] =	vst v0  }
0x141: {  	[tilespmem:s1+$0xFFFFFFE0] =	vst v1  }
0x142: {  	s0 =	sadd.s32 s30, s10;
	s21 =	simm.s32 $0x1C780;
	[tilespmem:s1+$0xFFFFFFF0] =	vst v2  }
0x143: {  	s31 =	simm.s32 $0x1C880;
	s7 =	sadd.s32 $0x0, s0;
	[tilespmem:s1+$0xFFFFFF90] =	vst v3;
	s1 =	simm.s32 $0x80  }
.LBB2_26:
0x144: {  	[hbm4b:s7+s6] =	stream.linear.scatter [tilespmem:s21], [sflag:$0x3], $0x80, $0x38;
	[tilespmem:$0x1E700] =	vst v63  }
0x145: {  	s7 =	smov.u32 s1;
	s21 =	smov.u32 s31;
	p0 =	sne.s32 s1, $0xF80  }
.Ltmp11:
0x146: {  	s1 =	sadd.s32 $0x80, s1;
	(pc) =	sbr.rel @p0 .LBB2_26-.Ltmp11, $2  }
0x147: {  	_ =	sdelay $0x2  }
0x148: {  	s31 =	sadd.s32 $0x100, s31;
	s7 =	sadd.s32 s7, s0  }
0x149: {  	[hbm4b:s7+s6] =	stream.linear.scatter [tilespmem:s21], [sflag:$0x3], $0x80, $0x38;
	[tilespmem:$0x1E700] =	vst v63  }
0x14a: {  	_ =	swait.ge [sflag:s24], $0x1000  }
0x14b: {  	[sflag:s24] =	ssyncset.done $0x0  }
0x14c: {  	s0 =	simm.s32 $0x1A770;
	[sflag:s24] =	ssyncadd.s32 $0xFFFFF000  }
0x14d: {  	v0 =	vld [tilespmem:s0+$0x0]  }
0x14e: {  	v1 =	vld [tilespmem:s0+$0xFFFFFFA0]  }
0x14f: {  	v2 =	vld [tilespmem:s0+$0xFFFFFFB0]  }
0x150: {  	v3 =	vld [tilespmem:s0+$0xFFFFFFC0]  }
0x151: {  	v6 =	vld [tilespmem:s0+$0xFFFFFFD0]  }
0x152: {  	v7 =	vld [tilespmem:s0+$0xFFFFFFE0]  }
0x153: {  	v8 =	vld [tilespmem:s0+$0xFFFFFFF0]  }
0x154: {  	v9 =	vld [tilespmem:s0+$0xFFFFFF90]  }
0x155: {  	v10 =	vld.idx.msk [tilespmem:v0+s6+$0x0], $0xffff  }
0x156: {  	v11 =	vld.idx.msk [tilespmem:v1+s6+$0x0], $0xffff  }
0x157: {  	v5 =	vld.idx.msk [tilespmem:v2+s6+$0x0], $0xffff  }
0x158: {  	v4 =	vld.idx.msk [tilespmem:v3+s6+$0x0], $0xffff  }
0x159: {  	v0 =	vld.idx.msk [tilespmem:v6+s6+$0x0], $0xffff  }
0x15a: {  	s1 =	simm.s32 $0x1C740;
	v1 =	vld.idx.msk [tilespmem:v7+s6+$0x0], $0xffff  }
0x15b: {  	v2 =	vld.idx.msk [tilespmem:v8+s6+$0x0], $0xffff;
	[tilespmem:s1+$0x30] =	vst v10  }
0x15c: {  	s21 =	simm.s32 $0x1A7F0;
	s0 =	simm.s32 $0x0;
	v3 =	vld.idx.msk [tilespmem:v9+s6+$0x0], $0xffff;
	[tilespmem:s1+$0xFFFFFFD0] =	vst v11  }
.LBB2_28:
0x15d: {  	v6 =	vld [tilespmem:s21+$0x0];
	s0 =	sadd.s32 $0x8, s0;
	[tilespmem:s1+$0xFFFFFFE0] =	vst v5  }
0x15e: {  	v5 =	vld [tilespmem:s21+$0xFFFFFFA0];
	p0 =	slt.u32 s0, $0xF8;
	[tilespmem:s1+$0xFFFFFFF0] =	vst v4  }
0x15f: {  	v4 =	vld [tilespmem:s21+$0xFFFFFFB0];
	[tilespmem:s1+$0x0] =	vst v0  }
0x160: {  	v0 =	vld [tilespmem:s21+$0xFFFFFFC0];
	[tilespmem:s1+$0x10] =	vst v1  }
0x161: {  	v1 =	vld [tilespmem:s21+$0xFFFFFFD0];
	[tilespmem:s1+$0x20] =	vst v2  }
0x162: {  	v2 =	vld [tilespmem:s21+$0xFFFFFFE0];
	[tilespmem:s1+$0xFFFFFFC0] =	vst v3  }
0x163: {  	v3 =	vld [tilespmem:s21+$0xFFFFFFF0]  }
0x164: {  	v7 =	vld [tilespmem:s21+$0xFFFFFF90]  }
0x165: {  	v6 =	vld.idx.msk [tilespmem:v6+s6+$0x0], $0xffff  }
0x166: {  	v8 =	vld.idx.msk [tilespmem:v5+s6+$0x0], $0xffff  }
0x167: {  	v5 =	vld.idx.msk [tilespmem:v4+s6+$0x0], $0xffff  }
.Ltmp12:
0x168: {  	v4 =	vld.idx.msk [tilespmem:v0+s6+$0x0], $0xffff;
	(pc) =	sbr.rel @p0 .LBB2_28-.Ltmp12, $4  }
0x169: {  	v0 =	vld.idx.msk [tilespmem:v1+s6+$0x0], $0xffff  }
0x16a: {  	s1 =	sadd.s32 $0x100, s1;
	v1 =	vld.idx.msk [tilespmem:v2+s6+$0x0], $0xffff  }
0x16b: {  	v2 =	vld.idx.msk [tilespmem:v3+s6+$0x0], $0xffff;
	[tilespmem:s1+$0x30] =	vst v6  }
0x16c: {  	s21 =	sadd.s32 $0x80, s21;
	v3 =	vld.idx.msk [tilespmem:v7+s6+$0x0], $0xffff;
	[tilespmem:s1+$0xFFFFFFD0] =	vst v8  }
0x16d: {  	[tilespmem:s1+$0xFFFFFFE0] =	vst v5  }
0x16e: {  	[tilespmem:s1+$0xFFFFFFF0] =	vst v4  }
0x16f: {  	[tilespmem:s1+$0x0] =	vst v0  }
0x170: {  	[tilespmem:s1+$0x10] =	vst v1  }
0x171: {  	s0 =	sadd.s32 s30, s11;
	s21 =	simm.s32 $0x1C700;
	[tilespmem:s1+$0x20] =	vst v2  }
0x172: {  	s31 =	simm.s32 $0x1C800;
	s7 =	sadd.s32 $0x0, s0;
	[tilespmem:s1+$0xFFFFFFC0] =	vst v3;
	s1 =	simm.s32 $0x80  }
.LBB2_30:
0x173: {  	[hbm4b:s7+s6] =	stream.linear.scatter [tilespmem:s21], [sflag:$0x2], $0x80, $0x38;
	[tilespmem:$0x1E700] =	vst v63  }
0x174: {  	s7 =	smov.u32 s1;
	s21 =	smov.u32 s31;
	p0 =	sne.s32 s1, $0xF80  }
.Ltmp13:
0x175: {  	s1 =	sadd.s32 $0x80, s1;
	(pc) =	sbr.rel @p0 .LBB2_30-.Ltmp13, $2  }
0x176: {  	_ =	sdelay $0x2  }
0x177: {  	s31 =	sadd.s32 $0x100, s31;
	s7 =	sadd.s32 s7, s0  }
0x178: {  	[hbm4b:s7+s6] =	stream.linear.scatter [tilespmem:s21], [sflag:$0x2], $0x80, $0x38;
	[tilespmem:$0x1E700] =	vst v63  }
0x179: {  	_ =	swait.ge [sflag:s25], $0x1000  }
0x17a: {  	[sflag:s25] =	ssyncset.done $0x0  }
0x17b: {  	s0 =	simm.s32 $0x1B770;
	[sflag:s25] =	ssyncadd.s32 $0xFFFFF000  }
0x17c: {  	v0 =	vld [tilespmem:s0+$0x0]  }
0x17d: {  	v1 =	vld [tilespmem:s0+$0xFFFFFFA0]  }
0x17e: {  	v2 =	vld [tilespmem:s0+$0xFFFFFFB0]  }
0x17f: {  	v3 =	vld [tilespmem:s0+$0xFFFFFFC0]  }
0x180: {  	v6 =	vld [tilespmem:s0+$0xFFFFFFD0]  }
0x181: {  	v7 =	vld [tilespmem:s0+$0xFFFFFFE0]  }
0x182: {  	v8 =	vld [tilespmem:s0+$0xFFFFFFF0]  }
0x183: {  	v9 =	vld [tilespmem:s0+$0xFFFFFF90]  }
0x184: {  	v10 =	vld.idx.msk [tilespmem:v0+s6+$0x0], $0xffff  }
0x185: {  	v11 =	vld.idx.msk [tilespmem:v1+s6+$0x0], $0xffff  }
0x186: {  	v5 =	vld.idx.msk [tilespmem:v2+s6+$0x0], $0xffff  }
0x187: {  	v4 =	vld.idx.msk [tilespmem:v3+s6+$0x0], $0xffff  }
0x188: {  	v0 =	vld.idx.msk [tilespmem:v6+s6+$0x0], $0xffff  }
0x189: {  	s1 =	simm.s32 $0x1C7F0;
	v1 =	vld.idx.msk [tilespmem:v7+s6+$0x0], $0xffff  }
0x18a: {  	v2 =	vld.idx.msk [tilespmem:v8+s6+$0x0], $0xffff;
	[tilespmem:s1+$0x0] =	vst v10  }
0x18b: {  	s21 =	simm.s32 $0x1B7F0;
	s0 =	simm.s32 $0x0;
	v3 =	vld.idx.msk [tilespmem:v9+s6+$0x0], $0xffff;
	[tilespmem:s1+$0xFFFFFFA0] =	vst v11  }
.LBB2_32:
0x18c: {  	v6 =	vld [tilespmem:s21+$0x0];
	s0 =	sadd.s32 $0x8, s0;
	[tilespmem:s1+$0xFFFFFFB0] =	vst v5  }
0x18d: {  	v5 =	vld [tilespmem:s21+$0xFFFFFFA0];
	p0 =	slt.u32 s0, $0xF8;
	[tilespmem:s1+$0xFFFFFFC0] =	vst v4  }
0x18e: {  	v4 =	vld [tilespmem:s21+$0xFFFFFFB0];
	[tilespmem:s1+$0xFFFFFFD0] =	vst v0  }
0x18f: {  	v0 =	vld [tilespmem:s21+$0xFFFFFFC0];
	[tilespmem:s1+$0xFFFFFFE0] =	vst v1  }
0x190: {  	v1 =	vld [tilespmem:s21+$0xFFFFFFD0];
	[tilespmem:s1+$0xFFFFFFF0] =	vst v2  }
0x191: {  	v2 =	vld [tilespmem:s21+$0xFFFFFFE0];
	[tilespmem:s1+$0xFFFFFF90] =	vst v3  }
0x192: {  	v3 =	vld [tilespmem:s21+$0xFFFFFFF0]  }
0x193: {  	v7 =	vld [tilespmem:s21+$0xFFFFFF90]  }
0x194: {  	v6 =	vld.idx.msk [tilespmem:v6+s6+$0x0], $0xffff  }
0x195: {  	v8 =	vld.idx.msk [tilespmem:v5+s6+$0x0], $0xffff  }
0x196: {  	v5 =	vld.idx.msk [tilespmem:v4+s6+$0x0], $0xffff  }
.Ltmp14:
0x197: {  	v4 =	vld.idx.msk [tilespmem:v0+s6+$0x0], $0xffff;
	(pc) =	sbr.rel @p0 .LBB2_32-.Ltmp14, $4  }
0x198: {  	v0 =	vld.idx.msk [tilespmem:v1+s6+$0x0], $0xffff  }
0x199: {  	s1 =	sadd.s32 $0x100, s1;
	v1 =	vld.idx.msk [tilespmem:v2+s6+$0x0], $0xffff  }
0x19a: {  	v2 =	vld.idx.msk [tilespmem:v3+s6+$0x0], $0xffff;
	[tilespmem:s1+$0x0] =	vst v6  }
0x19b: {  	s21 =	sadd.s32 $0x80, s21;
	v3 =	vld.idx.msk [tilespmem:v7+s6+$0x0], $0xffff;
	[tilespmem:s1+$0xFFFFFFA0] =	vst v8  }
0x19c: {  	[tilespmem:s1+$0xFFFFFFB0] =	vst v5  }
0x19d: {  	[tilespmem:s1+$0xFFFFFFC0] =	vst v4  }
0x19e: {  	[tilespmem:s1+$0xFFFFFFD0] =	vst v0  }
0x19f: {  	[tilespmem:s1+$0xFFFFFFE0] =	vst v1  }
0x1a0: {  	s0 =	sadd.s32 s30, s14;
	s21 =	simm.s32 $0x1C780;
	[tilespmem:s1+$0xFFFFFFF0] =	vst v2  }
0x1a1: {  	s30 =	simm.s32 $0x1C880;
	s7 =	sadd.s32 $0x0, s0;
	[tilespmem:s1+$0xFFFFFF90] =	vst v3;
	s1 =	simm.s32 $0x80  }
.LBB2_34:
0x1a2: {  	[hbm4b:s7+s6] =	stream.linear.scatter [tilespmem:s21], [sflag:$0x3], $0x80, $0x38;
	[tilespmem:$0x1E700] =	vst v63  }
0x1a3: {  	s7 =	smov.u32 s1;
	s21 =	smov.u32 s30;
	p0 =	seq.s32 s1, $0xF80  }
.Ltmp15:
0x1a4: {  	s1 =	sadd.s32 $0x80, s1;
	(pc) =	sbr.rel @!p0 .LBB2_34-.Ltmp15, $2  }
0x1a5: {  	_ =	sdelay $0x2  }
0x1a6: {  	s30 =	sadd.s32 $0x100, s30;
	s7 =	sadd.s32 s7, s0  }
0x1a7: {  	[hbm4b:s7+s6] =	stream.linear.scatter [tilespmem:s21], [sflag:$0x3], $0x80, $0x38;
	[tilespmem:$0x1E700] =	vst v63  }
0x1a8: {  	s28 =	sadd.s32 $0x1, s28  }
0x1a9: {  	p0 =	sge.u32 s28, s16  }
.Ltmp16:
0x1aa: {  	_ = 	snop;
	(pc) =	sbr.rel @!p0 .LBB2_19-.Ltmp16, $1  }
0x1ab: {  	_ =	sdelay $0x3  }
0x1ac: {  	s26 =	sadd.s32 $0x1, s26  }
0x1ad: {  	_ =	swait.ge [sflag:s24], $0x1000;
	p0 =	sne.s32 s26, s18  }
.Ltmp17:
0x1ae: {  	[sflag:s24] =	ssyncset.done $0x0;
	(pc) =	sbr.rel @p0 .LBB2_1-.Ltmp17, $4  }
0x1af: {  	[sflag:s24] =	ssyncadd.s32 $0xFFFFF000  }
0x1b0: {  	_ =	swait.ge [sflag:s25], $0x1000  }
0x1b1: {  	[sflag:s25] =	ssyncset.done $0x0  }
0x1b2: {  	[sflag:s25] =	ssyncadd.s32 $0xFFFFF000  }
0x1b3: {  	_ =	sfence.sel $0x180000  }
0x1b4: {  	[bflag:$0x0] =	sbarrier.arrive $0xFFFF  }
0x1b5: {  	_ =	strace $0x90000047  }
0x1b6: {  	s0 =	stileid.u32;
	[bflag:$0x2] =	sbarrier.arrive $0xFFFF  }
0x1b7: {  	p0 =	sne.s32 s0, $0x0;
	s0 =	rddreg [dreg:$0x3]  }
0x1b8: {  	s0 =	sadd.s32 @!p0 $0x100000, s0  }
0x1b9: {  	[sflag:s0] =	ssyncadd.tile.s32 @!p0 $0x1;
	_ =	shalt  }
.Lfunc_end2:
_tile_overlayer_lowered:
.L_overlay_start_2:
0x1ba: {  	(tag) =	ssettag $0x2  }
0x1bb: {  	s0 =	rddreg [dreg:$0x0];
	s2 =	stileid.u32  }
0x1bc: {  	s1 =	rddreg [dreg:$0x1];
	p0 =	sne.s32 s2, $0x0  }
0x1bd: {  	s3 =	rddreg [dreg:$0x2];
	[bflag:$0x3] =	sbarrier.arrive $0xFFFF;
	s2 =	simm.s32 @!p0 $0x1C04  }
0x1be: {  	[timem:s3], [sflag:s2] =	dma.local @!p0 [hbm:s0], s1  }
0x1bf: {  	s0 =	simm.s32 @!p0 $0x4  }
0x1c0: {  	_ =	swait.ge @!p0 [sflag:s0], s1  }
0x1c1: {  	s1 =	ssub.s32 @!p0 $0x0, s1;
	[sflag:s0] =	ssyncset.done @!p0 $0x0  }
0x1c2: {  	[sflag:s0] =	ssyncadd.s32 @!p0 s1  }
0x1c3: {  	[bflag:$0x3] =	sbarrier.arrive $0xFFFF  }
0x1c4: {  	_ =	shalt  }

</sc_bundles>
